<compile_context>
chip_gen: v7x
topology: tpu7x:2x2x1
jax: 0.10.2.dev20260603
libtpu: 0.0.44.dev20260713+nightly
codegen_flags: <defaults>
</compile_context>

<pallas_src>
import jax
import jax.numpy as jnp
from jax import lax
from jax.experimental import pallas as pl
from jax.experimental.pallas import tpu as pltpu
from jax.experimental.pallas import tpu_sc as plsc

B = 4
N = 100000
Q = 128
D = 256
L = 16
NC = 2
NS = 16
WPB = 8
NSH = N // WPB
UNROLL = 16
CH = -(-NSH // (L * UNROLL)) * UNROLL
NPAD = CH * L


def _splat(x, dtype=None):
    v = jnp.broadcast_to(x, (L,))
    return v if dtype is None else v.astype(dtype)


def _fps_body(xs, ys, zs, qw, q_out, samp_out,
              x_v, y_v, z_v, d_v, qrows_v, samp_v, cand_v, bc_v, cands_v,
              cand_sh, bc_sh):
    c = lax.axis_index("c")
    s = lax.axis_index("s")
    g = s // WPB
    j = s % WPB
    b = c * (NS // WPB) + g
    r = b * WPB + j

    lane = lax.broadcasted_iota(jnp.int32, (L,), 0)
    ninf16 = jnp.full((L,), -jnp.inf, jnp.float32)
    lane0 = lane == 0
    rt0 = jnp.minimum(s, 0)

    def _idx(k):
        return _splat(rt0 + k, jnp.int32)

    def _lanek(v, k):
        return jnp.max(jnp.where(lane == k, v, ninf16))

    pltpu.sync_copy(qw.at[pl.ds(j * 16, 16)], qrows_v)
    pltpu.sync_copy(qrows_v, q_out.at[b, pl.ds(j * 16, 16)])

    pltpu.sync_copy(xs.at[r], x_v)
    pltpu.sync_copy(ys.at[r], y_v)
    pltpu.sync_copy(zs.at[r], z_v)

    def init_chunk(ci, _):
        gi = ci * L + lane
        d_v[pl.ds(ci * L, L)] = jnp.where(gi < NSH, jnp.inf, -jnp.inf).astype(jnp.float32)
        return 0

    lax.fori_loop(0, CH, init_chunk, 0)

    @pl.when(j == 0)
    def _():
        x0 = _splat(_lanek(x_v[pl.ds(0, L)], 0))
        y0 = _splat(_lanek(y_v[pl.ds(0, L)], 0))
        z0 = _splat(_lanek(z_v[pl.ds(0, L)], 0))
        plsc.store_scatter(samp_v, [_idx(0), _idx(0)], x0, mask=lane0)
        plsc.store_scatter(samp_v, [_idx(0), _idx(1)], y0, mask=lane0)
        plsc.store_scatter(samp_v, [_idx(0), _idx(2)], z0, mask=lane0)
        row = jnp.where(lane == 0, x0,
              jnp.where(lane == 1, y0,
              jnp.where(lane == 2, z0, jnp.float32(0.0))))
        cand_v[...] = row
        pltpu.sync_copy(cand_v, bc_sh.at[c, g])

    plsc.subcore_barrier()
    pltpu.sync_copy(bc_sh.at[c, g], bc_v)
    brow0 = bc_v[...]
    lastx = _splat(_lanek(brow0, 0))
    lasty = _splat(_lanek(brow0, 1))
    lastz = _splat(_lanek(brow0, 2))

    shard_base = j * NSH

    BIGIDX = jnp.float32(3.0e9)

    def step(t, carry):
        lx, ly, lz = carry

        @plsc.parallel_loop(0, CH, 1, unroll=UNROLL,
                            carry=(ninf16, _splat(rt0, jnp.int32)))
        def _dist(ci, st):
            bestv, bestc = st
            sl = pl.ds(ci * L, L)
            dx = x_v[sl] - lx
            dy = y_v[sl] - ly
            dz = z_v[sl] - lz
            dd = dx * dx + dy * dy + dz * dz
            nd = jnp.minimum(d_v[sl], dd)
            d_v[sl] = nd
            gt = nd > bestv
            bestv = jnp.where(gt, nd, bestv)
            bestc = jnp.where(gt, _splat(ci, jnp.int32), bestc)
            return bestv, bestc

        bestv, bestc = _dist

        m = jnp.max(bestv)
        gvec = shard_base + bestc * L + lane
        eq = bestv == _splat(m)
        lg = jnp.min(jnp.where(eq, gvec, jnp.int32(2**31 - 1)))
        p = _splat(lg - shard_base, jnp.int32)
        wx = plsc.load_gather(x_v, [p])
        wy = plsc.load_gather(y_v, [p])
        wz = plsc.load_gather(z_v, [p])

        rowv = jnp.where(lane == 0, _splat(m),
               jnp.where(lane == 1, wx,
               jnp.where(lane == 2, wy,
               jnp.where(lane == 3, wz,
               _splat(lg.astype(jnp.float32))))))
        cand_v[...] = rowv
        par = jnp.bitwise_and(t, 1)
        pltpu.sync_copy(cand_v, cand_sh.at[c, g, par, j])
        plsc.subcore_barrier()

        pltpu.sync_copy(cand_sh.at[c, g, par], cands_v)
        rowl = jnp.minimum(lane, WPB - 1)
        valid = lane < WPB
        vals = jnp.where(valid, plsc.load_gather(cands_v, [rowl, _idx(0)]), ninf16)
        gxs = plsc.load_gather(cands_v, [rowl, _idx(1)])
        gys = plsc.load_gather(cands_v, [rowl, _idx(2)])
        gzs = plsc.load_gather(cands_v, [rowl, _idx(3)])
        gis = jnp.where(valid, plsc.load_gather(cands_v, [rowl, _idx(4)]), _splat(BIGIDX))
        mm = jnp.max(vals)
        eqw = (vals == _splat(mm)) & valid
        gg = jnp.min(jnp.where(eqw, gis, _splat(BIGIDX)))
        eqg = eqw & (gis == _splat(gg))
        wxx = _splat(jnp.max(jnp.where(eqg, gxs, ninf16)))
        wyy = _splat(jnp.max(jnp.where(eqg, gys, ninf16)))
        wzz = _splat(jnp.max(jnp.where(eqg, gzs, ninf16)))

        @pl.when(j == 0)
        def _():
            tv = _splat(t, jnp.int32)
            plsc.store_scatter(samp_v, [tv, _idx(0)], wxx, mask=lane0)
            plsc.store_scatter(samp_v, [tv, _idx(1)], wyy, mask=lane0)
            plsc.store_scatter(samp_v, [tv, _idx(2)], wzz, mask=lane0)

        return wxx, wyy, wzz

    lax.fori_loop(1, Q, step, (lastx, lasty, lastz))

    @pl.when(j == 0)
    def _():
        pltpu.sync_copy(samp_v, samp_out.at[b])


_fps_call = pl.kernel(
    _fps_body,
    out_type=(
        jax.ShapeDtypeStruct((B, Q, D), jnp.float32),
        jax.ShapeDtypeStruct((B, Q, 3), jnp.float32),
    ),
    mesh=plsc.VectorSubcoreMesh(core_axis_name="c", subcore_axis_name="s",
                                num_cores=NC, num_subcores=NS),
    compiler_params=pltpu.CompilerParams(needs_layout_passes=False),
    scratch_types=[
        pltpu.VMEM((NPAD,), jnp.float32),
        pltpu.VMEM((NPAD,), jnp.float32),
        pltpu.VMEM((NPAD,), jnp.float32),
        pltpu.VMEM((NPAD,), jnp.float32),
        pltpu.VMEM((16, D), jnp.float32),
        pltpu.VMEM((Q, 3), jnp.float32),
        pltpu.VMEM((L,), jnp.float32),
        pltpu.VMEM((L,), jnp.float32),
        pltpu.VMEM((WPB, L), jnp.float32),
        pltpu.HBM((NC, NS // WPB, 2, WPB, L), jnp.float32),
        pltpu.HBM((NC, NS // WPB, L), jnp.float32),
    ],
)


def kernel(coordinates, query_weight):
    pts = coordinates.reshape(B, WPB, NSH, 3)
    pts = jnp.pad(pts, ((0, 0), (0, 0), (0, NPAD - NSH), (0, 0)))
    xs = pts[..., 0].reshape(B * WPB, NPAD)
    ys = pts[..., 1].reshape(B * WPB, NPAD)
    zs = pts[..., 2].reshape(B * WPB, NPAD)
    queries, sampled = _fps_call(xs, ys, zs, query_weight)
    return (queries, sampled)

# --- scband reference (transcript-rebuilt; emitter-appended) ---
"""Pipeline reference for scband-query-initializer-78005196030102 (READ-ONLY COPY).

The authoritative reference and input builder live on the scoring server;
editing this copy changes nothing except your own understanding.
"""

import jax, jax.numpy as jnp
import numpy as np

NUM_QUERIES = 128
QUERY_DIM = 256
BATCH = 4
N_POINTS = 100000


def _furthest_point_sample(points, num_samples):
    # Standard iterative FPS starting from point index 0 (matches CUDA kernel).
    N = points.shape[0]

    def body(carry, _):
        dists, last_idx = carry
        last = points[last_idx]
        d = jnp.sum((points - last) ** 2, axis=-1)
        dists = jnp.minimum(dists, d)
        nxt = jnp.argmax(dists).astype(jnp.int32)
        return (dists, nxt), last_idx

    init = (jnp.full((N,), jnp.inf, dtype=points.dtype), jnp.array(0, dtype=jnp.int32))
    (_, _), idxs = jax.lax.scan(body, init, None, length=num_samples)
    return idxs  # int32 [num_samples]


def setup_inputs(seed: int = 0) -> dict:
    key = jax.random.key(seed)
    k1, k2 = jax.random.split(key)
    coordinates = jax.random.uniform(k1, (BATCH, N_POINTS, 3), dtype=jnp.float32)
    # learned query embedding table: nn.Embedding(num_queries, query_dim)
    query_weight = jax.random.normal(k2, (NUM_QUERIES, QUERY_DIM), dtype=jnp.float32)
    return {"coordinates": coordinates, "query_weight": query_weight}


def reference(coordinates, query_weight):
    # pos_sampling_mode='fps', learnable_queries=True, only_one_embedding=False
    batch_size = coordinates.shape[0]
    # fps indices are integer outputs of a non-differentiable CUDA op in torch
    coords_ng = jax.lax.stop_gradient(coordinates)
    fps_idx = jax.vmap(lambda p: _furthest_point_sample(p, NUM_QUERIES))(coords_ng)  # [B, Q]
    # sampled_coords = stack([coordinates[i][fps_idx[i]] for i in range(B)])
    sampled_coords = jax.vmap(lambda c, i: c[i])(coordinates, fps_idx)  # [B, Q, 3]
    # queries = query_feat.weight.clone().unsqueeze(0).repeat(B, 1, 1)
    queries = jnp.tile(query_weight[None, :, :], (batch_size, 1, 1))  # [B, Q, D]
    return (queries, sampled_coords)

if __name__ == "__main__":
    import jax
    _d = setup_inputs()
    print(jax.jit(kernel)(*tuple(_d.values())))

</pallas_src>

<mosaic_0001>
#map = affine_map<(d0, d1) -> (0, 0)>
#map1 = affine_map<(d0, d1) -> (0, 0, 0)>
module attributes {stable_mosaic.version = 14 : i64} {
  func.func @_fps_body(%arg0: i32, %arg1: i32, %arg2: memref<32x12544xf32, #tpu.memory_space<hbm>>, %arg3: memref<32x12544xf32, #tpu.memory_space<hbm>>, %arg4: memref<32x12544xf32, #tpu.memory_space<hbm>>, %arg5: memref<128x256xf32, #tpu.memory_space<hbm>>, %arg6: memref<4x128x256xf32, #tpu.memory_space<hbm>>, %arg7: memref<4x128x3xf32, #tpu.memory_space<hbm>>, %arg8: memref<12544xf32, #tpu.memory_space<vmem>>, %arg9: memref<12544xf32, #tpu.memory_space<vmem>>, %arg10: memref<12544xf32, #tpu.memory_space<vmem>>, %arg11: memref<12544xf32, #tpu.memory_space<vmem>>, %arg12: memref<16x256xf32, #tpu.memory_space<vmem>>, %arg13: memref<128x3xf32, #tpu.memory_space<vmem>>, %arg14: memref<16xf32, #tpu.memory_space<vmem>>, %arg15: memref<16xf32, #tpu.memory_space<vmem>>, %arg16: memref<8x16xf32, #tpu.memory_space<vmem>>, %arg17: memref<2x2x2x8x16xf32, #tpu.memory_space<hbm>>, %arg18: memref<2x2x16xf32, #tpu.memory_space<hbm>>) attributes {dimension_semantics = [#tpu.dimension_semantics<core_parallel>, #tpu.dimension_semantics<subcore_parallel>], iteration_bounds = array<i64: 2, 16>, scalar_prefetch = 0 : i64, scratch_operands = 11 : i64, tpu.core_type = #tpu.core_type<sc_vector_subcore>, window_params = [{transform_indices = #map}, {transform_indices = #map}, {transform_indices = #map}, {transform_indices = #map}, {transform_indices = #map1}, {transform_indices = #map1}]} {
    %jit3A = arith.constant 8 : i32
    %div3A = arith.divsi %arg1, %jit3A : i32
    %sign3A = arith.constant 0 : i32
    %sign3A_0 = arith.cmpi sgt, %arg1, %sign3A : i32
    %sign3A_1 = arith.extui %sign3A_0 : i1 to i32
    %sign3A_2 = arith.constant 0 : i32
    %sign3A_3 = arith.cmpi slt, %arg1, %sign3A_2 : i32
    %sign3A_4 = arith.extui %sign3A_3 : i1 to i32
    %sign3A_5 = arith.subi %sign3A_1, %sign3A_4 : i32
    %sign3A_6 = arith.constant 0 : i32
    %sign3A_7 = arith.cmpi sgt, %jit3A, %sign3A_6 : i32
    %sign3A_8 = arith.extui %sign3A_7 : i1 to i32
    %sign3A_9 = arith.constant 0 : i32
    %sign3A_10 = arith.cmpi slt, %jit3A, %sign3A_9 : i32
    %sign3A_11 = arith.extui %sign3A_10 : i1 to i32
    %sign3A_12 = arith.subi %sign3A_8, %sign3A_11 : i32
    %ne3A = arith.cmpi ne, %sign3A_5, %sign3A_12 : i32
    %rem3A = arith.remsi %arg1, %jit3A : i32
    %ne3A_13 = arith.constant 0 : i32
    %ne3A_14 = arith.cmpi ne, %rem3A, %ne3A_13 : i32
    %and3A = arith.andi %ne3A, %ne3A_14 : i1
    %sub3A = arith.constant 1 : i32
    %sub3A_15 = arith.subi %div3A, %sub3A : i32
    %select_n3A = arith.select %and3A, %sub3A_15, %div3A : i32
    %jit3A_16 = arith.constant 8 : i32
    %eq3A = arith.constant 0 : i32
    %eq3A_17 = arith.cmpi eq, %jit3A_16, %eq3A : i32
    %jit3A_18 = arith.constant 1 : i32
    %select_n3A_19 = arith.select %eq3A_17, %jit3A_18, %jit3A_16 : i32
    %rem3A_20 = arith.remsi %arg1, %select_n3A_19 : i32
    %ne3A_21 = arith.constant 0 : i32
    %ne3A_22 = arith.cmpi ne, %rem3A_20, %ne3A_21 : i32
    %lt3A = arith.constant 0 : i32
    %lt3A_23 = arith.cmpi slt, %rem3A_20, %lt3A : i32
    %lt3A_24 = arith.constant 0 : i32
    %lt3A_25 = arith.cmpi slt, %select_n3A_19, %lt3A_24 : i32
    %ne3A_26 = arith.xori %lt3A_23, %lt3A_25 : i1
    %and3A_27 = arith.andi %ne3A_26, %ne3A_22 : i1
    %add3A = arith.addi %rem3A_20, %select_n3A_19 : i32
    %select_n3A_28 = arith.select %and3A_27, %add3A, %rem3A_20 : i32
    %mul3A = arith.constant 2 : i32
    %mul3A_29 = arith.muli %arg0, %mul3A : i32
    %add3A_30 = arith.addi %mul3A_29, %select_n3A : i32
    %mul3A_31 = arith.constant 8 : i32
    %mul3A_32 = arith.muli %add3A_30, %mul3A_31 : i32
    %add3A_33 = arith.addi %mul3A_32, %select_n3A_28 : i32
    %iota3A = tpu.iota {dimensions = array<i32: 0>} : vector<16xi32>
    %broadcast_in_dim3A = arith.constant 0xFF800000 : f32
    %broadcast_in_dim3A_34 = vector.broadcast %broadcast_in_dim3A : f32 to vector<16xf32>
    %eq3A_35 = arith.constant 0 : i32
    %eq3A_36 = vector.broadcast %eq3A_35 : i32 to vector<16xi32>
    %eq3A_37 = arith.cmpi eq, %iota3A, %eq3A_36 : vector<16xi32>
    %min3A = arith.constant 0 : i32
    %min3A_38 = arith.minsi %arg1, %min3A : i32
    %mul3A_39 = arith.constant 16 : i32
    %mul3A_40 = arith.muli %select_n3A_28, %mul3A_39 : i32
    "tpu.region"() ({
      %run_scoped3A = tpu.sem_alloc : memref<!tpu.dma_semaphore, #tpu.memory_space<semaphore_mem>>
      %dma_start3A = arith.constant 0 : i32
      %dma_start3A_93 = tpu.memref_slice %arg5[%mul3A_40, %dma_start3A] : memref<128x256xf32, #tpu.memory_space<hbm>> -> memref<16x256xf32, #tpu.memory_space<hbm>>
      %dma_start3A_94 = arith.constant 0 : i32
      %dma_start3A_95 = tpu.memref_slice %arg5[%mul3A_40, %dma_start3A_94] : memref<128x256xf32, #tpu.memory_space<hbm>> -> memref<16x256xf32, #tpu.memory_space<hbm>>
      tpu.enqueue_dma source(%dma_start3A_95 : memref<16x256xf32, #tpu.memory_space<hbm>>) target(%arg12 : memref<16x256xf32, #tpu.memory_space<vmem>>) target_semaphore(%run_scoped3A : memref<!tpu.dma_semaphore, #tpu.memory_space<semaphore_mem>>)
      %dma_wait3A = arith.constant 0 : i32
      %dma_wait3A_96 = tpu.memref_slice %arg5[%mul3A_40, %dma_wait3A] : memref<128x256xf32, #tpu.memory_space<hbm>> -> memref<16x256xf32, #tpu.memory_space<hbm>>
      %dma_wait3A_97 = arith.constant 0 : i32
      %dma_wait3A_98 = tpu.memref_slice %arg5[%mul3A_40, %dma_wait3A_97] : memref<128x256xf32, #tpu.memory_space<hbm>> -> memref<16x256xf32, #tpu.memory_space<hbm>>
      tpu.wait_dma2 semaphore(%run_scoped3A : memref<!tpu.dma_semaphore, #tpu.memory_space<semaphore_mem>>) src(%dma_wait3A_98 : memref<16x256xf32, #tpu.memory_space<hbm>>) dst(%arg12 : memref<16x256xf32, #tpu.memory_space<vmem>>)
      tpu.yield
    }) : () -> ()
    %mul3A_41 = arith.constant 16 : i32
    %mul3A_42 = arith.muli %select_n3A_28, %mul3A_41 : i32
    "tpu.region"() ({
      %run_scoped3A = tpu.sem_alloc : memref<!tpu.dma_semaphore, #tpu.memory_space<semaphore_mem>>
      %dma_start3A = arith.constant 0 : i32
      %dma_start3A_93 = tpu.memref_slice %arg6[%add3A_30, %mul3A_42, %dma_start3A] : memref<4x128x256xf32, #tpu.memory_space<hbm>> -> memref<1x16x256xf32, #tpu.memory_space<hbm>>
      %dma_start3A_94 = tpu.memref_squeeze %dma_start3A_93 : memref<1x16x256xf32, #tpu.memory_space<hbm>> -> memref<16x256xf32, #tpu.memory_space<hbm>>
      %dma_start3A_95 = arith.constant 0 : i32
      %dma_start3A_96 = tpu.memref_slice %arg6[%add3A_30, %mul3A_42, %dma_start3A_95] : memref<4x128x256xf32, #tpu.memory_space<hbm>> -> memref<1x16x256xf32, #tpu.memory_space<hbm>>
      %dma_start3A_97 = tpu.memref_squeeze %dma_start3A_96 : memref<1x16x256xf32, #tpu.memory_space<hbm>> -> memref<16x256xf32, #tpu.memory_space<hbm>>
      tpu.enqueue_dma source(%arg12 : memref<16x256xf32, #tpu.memory_space<vmem>>) target(%dma_start3A_97 : memref<16x256xf32, #tpu.memory_space<hbm>>) target_semaphore(%run_scoped3A : memref<!tpu.dma_semaphore, #tpu.memory_space<semaphore_mem>>)
      %dma_wait3A = arith.constant 0 : i32
      %dma_wait3A_98 = tpu.memref_slice %arg6[%add3A_30, %mul3A_42, %dma_wait3A] : memref<4x128x256xf32, #tpu.memory_space<hbm>> -> memref<1x16x256xf32, #tpu.memory_space<hbm>>
      %dma_wait3A_99 = tpu.memref_squeeze %dma_wait3A_98 : memref<1x16x256xf32, #tpu.memory_space<hbm>> -> memref<16x256xf32, #tpu.memory_space<hbm>>
      %dma_wait3A_100 = arith.constant 0 : i32
      %dma_wait3A_101 = tpu.memref_slice %arg6[%add3A_30, %mul3A_42, %dma_wait3A_100] : memref<4x128x256xf32, #tpu.memory_space<hbm>> -> memref<1x16x256xf32, #tpu.memory_space<hbm>>
      %dma_wait3A_102 = tpu.memref_squeeze %dma_wait3A_101 : memref<1x16x256xf32, #tpu.memory_space<hbm>> -> memref<16x256xf32, #tpu.memory_space<hbm>>
      tpu.wait_dma2 semaphore(%run_scoped3A : memref<!tpu.dma_semaphore, #tpu.memory_space<semaphore_mem>>) src(%arg12 : memref<16x256xf32, #tpu.memory_space<vmem>>) dst(%dma_wait3A_102 : memref<16x256xf32, #tpu.memory_space<hbm>>)
      tpu.yield
    }) : () -> ()
    "tpu.region"() ({
      %run_scoped3A = tpu.sem_alloc : memref<!tpu.dma_semaphore, #tpu.memory_space<semaphore_mem>>
      %dma_start3A = arith.constant 0 : i32
      %dma_start3A_93 = tpu.memref_slice %arg2[%add3A_33, %dma_start3A] : memref<32x12544xf32, #tpu.memory_space<hbm>> -> memref<1x12544xf32, #tpu.memory_space<hbm>>
      %dma_start3A_94 = tpu.memref_squeeze %dma_start3A_93 : memref<1x12544xf32, #tpu.memory_space<hbm>> -> memref<12544xf32, #tpu.memory_space<hbm>>
      %dma_start3A_95 = arith.constant 0 : i32
      %dma_start3A_96 = tpu.memref_slice %arg2[%add3A_33, %dma_start3A_95] : memref<32x12544xf32, #tpu.memory_space<hbm>> -> memref<1x12544xf32, #tpu.memory_space<hbm>>
      %dma_start3A_97 = tpu.memref_squeeze %dma_start3A_96 : memref<1x12544xf32, #tpu.memory_space<hbm>> -> memref<12544xf32, #tpu.memory_space<hbm>>
      tpu.enqueue_dma source(%dma_start3A_97 : memref<12544xf32, #tpu.memory_space<hbm>>) target(%arg8 : memref<12544xf32, #tpu.memory_space<vmem>>) target_semaphore(%run_scoped3A : memref<!tpu.dma_semaphore, #tpu.memory_space<semaphore_mem>>)
      %dma_wait3A = arith.constant 0 : i32
      %dma_wait3A_98 = tpu.memref_slice %arg2[%add3A_33, %dma_wait3A] : memref<32x12544xf32, #tpu.memory_space<hbm>> -> memref<1x12544xf32, #tpu.memory_space<hbm>>
      %dma_wait3A_99 = tpu.memref_squeeze %dma_wait3A_98 : memref<1x12544xf32, #tpu.memory_space<hbm>> -> memref<12544xf32, #tpu.memory_space<hbm>>
      %dma_wait3A_100 = arith.constant 0 : i32
      %dma_wait3A_101 = tpu.memref_slice %arg2[%add3A_33, %dma_wait3A_100] : memref<32x12544xf32, #tpu.memory_space<hbm>> -> memref<1x12544xf32, #tpu.memory_space<hbm>>
      %dma_wait3A_102 = tpu.memref_squeeze %dma_wait3A_101 : memref<1x12544xf32, #tpu.memory_space<hbm>> -> memref<12544xf32, #tpu.memory_space<hbm>>
      tpu.wait_dma2 semaphore(%run_scoped3A : memref<!tpu.dma_semaphore, #tpu.memory_space<semaphore_mem>>) src(%dma_wait3A_102 : memref<12544xf32, #tpu.memory_space<hbm>>) dst(%arg8 : memref<12544xf32, #tpu.memory_space<vmem>>)
      tpu.yield
    }) : () -> ()
    "tpu.region"() ({
      %run_scoped3A = tpu.sem_alloc : memref<!tpu.dma_semaphore, #tpu.memory_space<semaphore_mem>>
      %dma_start3A = arith.constant 0 : i32
      %dma_start3A_93 = tpu.memref_slice %arg3[%add3A_33, %dma_start3A] : memref<32x12544xf32, #tpu.memory_space<hbm>> -> memref<1x12544xf32, #tpu.memory_space<hbm>>
      %dma_start3A_94 = tpu.memref_squeeze %dma_start3A_93 : memref<1x12544xf32, #tpu.memory_space<hbm>> -> memref<12544xf32, #tpu.memory_space<hbm>>
      %dma_start3A_95 = arith.constant 0 : i32
      %dma_start3A_96 = tpu.memref_slice %arg3[%add3A_33, %dma_start3A_95] : memref<32x12544xf32, #tpu.memory_space<hbm>> -> memref<1x12544xf32, #tpu.memory_space<hbm>>
      %dma_start3A_97 = tpu.memref_squeeze %dma_start3A_96 : memref<1x12544xf32, #tpu.memory_space<hbm>> -> memref<12544xf32, #tpu.memory_space<hbm>>
      tpu.enqueue_dma source(%dma_start3A_97 : memref<12544xf32, #tpu.memory_space<hbm>>) target(%arg9 : memref<12544xf32, #tpu.memory_space<vmem>>) target_semaphore(%run_scoped3A : memref<!tpu.dma_semaphore, #tpu.memory_space<semaphore_mem>>)
      %dma_wait3A = arith.constant 0 : i32
      %dma_wait3A_98 = tpu.memref_slice %arg3[%add3A_33, %dma_wait3A] : memref<32x12544xf32, #tpu.memory_space<hbm>> -> memref<1x12544xf32, #tpu.memory_space<hbm>>
      %dma_wait3A_99 = tpu.memref_squeeze %dma_wait3A_98 : memref<1x12544xf32, #tpu.memory_space<hbm>> -> memref<12544xf32, #tpu.memory_space<hbm>>
      %dma_wait3A_100 = arith.constant 0 : i32
      %dma_wait3A_101 = tpu.memref_slice %arg3[%add3A_33, %dma_wait3A_100] : memref<32x12544xf32, #tpu.memory_space<hbm>> -> memref<1x12544xf32, #tpu.memory_space<hbm>>
      %dma_wait3A_102 = tpu.memref_squeeze %dma_wait3A_101 : memref<1x12544xf32, #tpu.memory_space<hbm>> -> memref<12544xf32, #tpu.memory_space<hbm>>
      tpu.wait_dma2 semaphore(%run_scoped3A : memref<!tpu.dma_semaphore, #tpu.memory_space<semaphore_mem>>) src(%dma_wait3A_102 : memref<12544xf32, #tpu.memory_space<hbm>>) dst(%arg9 : memref<12544xf32, #tpu.memory_space<vmem>>)
      tpu.yield
    }) : () -> ()
    "tpu.region"() ({
      %run_scoped3A = tpu.sem_alloc : memref<!tpu.dma_semaphore, #tpu.memory_space<semaphore_mem>>
      %dma_start3A = arith.constant 0 : i32
      %dma_start3A_93 = tpu.memref_slice %arg4[%add3A_33, %dma_start3A] : memref<32x12544xf32, #tpu.memory_space<hbm>> -> memref<1x12544xf32, #tpu.memory_space<hbm>>
      %dma_start3A_94 = tpu.memref_squeeze %dma_start3A_93 : memref<1x12544xf32, #tpu.memory_space<hbm>> -> memref<12544xf32, #tpu.memory_space<hbm>>
      %dma_start3A_95 = arith.constant 0 : i32
      %dma_start3A_96 = tpu.memref_slice %arg4[%add3A_33, %dma_start3A_95] : memref<32x12544xf32, #tpu.memory_space<hbm>> -> memref<1x12544xf32, #tpu.memory_space<hbm>>
      %dma_start3A_97 = tpu.memref_squeeze %dma_start3A_96 : memref<1x12544xf32, #tpu.memory_space<hbm>> -> memref<12544xf32, #tpu.memory_space<hbm>>
      tpu.enqueue_dma source(%dma_start3A_97 : memref<12544xf32, #tpu.memory_space<hbm>>) target(%arg10 : memref<12544xf32, #tpu.memory_space<vmem>>) target_semaphore(%run_scoped3A : memref<!tpu.dma_semaphore, #tpu.memory_space<semaphore_mem>>)
      %dma_wait3A = arith.constant 0 : i32
      %dma_wait3A_98 = tpu.memref_slice %arg4[%add3A_33, %dma_wait3A] : memref<32x12544xf32, #tpu.memory_space<hbm>> -> memref<1x12544xf32, #tpu.memory_space<hbm>>
      %dma_wait3A_99 = tpu.memref_squeeze %dma_wait3A_98 : memref<1x12544xf32, #tpu.memory_space<hbm>> -> memref<12544xf32, #tpu.memory_space<hbm>>
      %dma_wait3A_100 = arith.constant 0 : i32
      %dma_wait3A_101 = tpu.memref_slice %arg4[%add3A_33, %dma_wait3A_100] : memref<32x12544xf32, #tpu.memory_space<hbm>> -> memref<1x12544xf32, #tpu.memory_space<hbm>>
      %dma_wait3A_102 = tpu.memref_squeeze %dma_wait3A_101 : memref<1x12544xf32, #tpu.memory_space<hbm>> -> memref<12544xf32, #tpu.memory_space<hbm>>
      tpu.wait_dma2 semaphore(%run_scoped3A : memref<!tpu.dma_semaphore, #tpu.memory_space<semaphore_mem>>) src(%dma_wait3A_102 : memref<12544xf32, #tpu.memory_space<hbm>>) dst(%arg10 : memref<12544xf32, #tpu.memory_space<vmem>>)
      tpu.yield
    }) : () -> ()
    %scan3A = arith.constant 0 : i32
    %scan3A_43 = arith.constant 0 : i32
    %scan3A_44 = arith.constant 784 : i32
    %scan3A_45 = arith.addi %scan3A_43, %scan3A_44 : i32
    %scan3A_46 = arith.constant 1 : i32
    %scan3A_47 = scf.for %scan3A_93 = %scan3A_43 to %scan3A_45 step %scan3A_46 iter_args(%scan3A_94 = %scan3A) -> (i32)  : i32 {
      %mul3A_95 = arith.constant 16 : i32
      %mul3A_96 = arith.muli %scan3A_93, %mul3A_95 : i32
      %add3A_97 = vector.broadcast %mul3A_96 : i32 to vector<16xi32>
      %add3A_98 = arith.addi %add3A_97, %iota3A : vector<16xi32>
      %lt3A_99 = arith.constant 12500 : i32
      %lt3A_100 = vector.broadcast %lt3A_99 : i32 to vector<16xi32>
      %lt3A_101 = arith.cmpi slt, %add3A_98, %lt3A_100 : vector<16xi32>
      %jit3A_102 = arith.constant 0x7F800000 : f32
      %jit3A_103 = arith.constant 0xFF800000 : f32
      %broadcast_in_dim3A_104 = vector.broadcast %jit3A_102 : f32 to vector<16xf32>
      %broadcast_in_dim3A_105 = vector.broadcast %jit3A_103 : f32 to vector<16xf32>
      %select_n3A_106 = arith.select %lt3A_101, %broadcast_in_dim3A_104, %broadcast_in_dim3A_105 : vector<16xi1>, vector<16xf32>
      %mul3A_107 = arith.constant 16 : i32
      %mul3A_108 = arith.muli %scan3A_93, %mul3A_107 : i32
      %swap3A = arith.index_cast %mul3A_108 : i32 to index
      %swap3A_109 = tpu.vector_load %arg11[%swap3A] {strides = array<i32>} : memref<12544xf32, #tpu.memory_space<vmem>>, vector<16xf32>,
      tpu.vector_store %arg11[%swap3A], %select_n3A_106 {strides = array<i32>} : memref<12544xf32, #tpu.memory_space<vmem>>, vector<16xf32>,
      %scan3A_110 = arith.constant 0 : i32
      scf.yield %scan3A_110 : i32
    }
    %scan3A_48 = arith.constant 784 : i32
    %eq3A_49 = arith.constant 0 : i32
    %eq3A_50 = arith.cmpi eq, %select_n3A_28, %eq3A_49 : i32
    %convert_element_type3A = arith.extui %eq3A_50 : i1 to i32
    %cond3A = arith.constant 0 : i32
    %cond3A_51 = arith.cmpi ne, %convert_element_type3A, %cond3A : i32
    scf.if %cond3A_51 {
      %get3A_93 = arith.constant 0 : index
      %get3A_94 = tpu.vector_load %arg8[%get3A_93] {strides = array<i32>} : memref<12544xf32, #tpu.memory_space<vmem>>, vector<16xf32>,
      %eq3A_95 = arith.constant 0 : i32
      %eq3A_96 = vector.broadcast %eq3A_95 : i32 to vector<16xi32>
      %eq3A_97 = arith.cmpi eq, %iota3A, %eq3A_96 : vector<16xi32>
      %select_n3A_98 = arith.select %eq3A_97, %get3A_94, %broadcast_in_dim3A_34 : vector<16xi1>, vector<16xf32>
      %reduce_max3A_99 = arith.constant true
      %reduce_max3A_100 = vector.broadcast %reduce_max3A_99 : i1 to vector<16xi1>
      %reduce_max3A_101 = tpu.scan <max>, %select_n3A_98 masked %reduce_max3A_100 : vector<16xf32>, vector<16xi1> -> vector<16xf32>
      %reduce_max3A_102 = vector.extract %reduce_max3A_101[15] : f32 from vector<16xf32>
      %broadcast_in_dim3A_103 = vector.broadcast %reduce_max3A_102 : f32 to vector<16xf32>
      %get3A_104 = arith.constant 0 : index
      %get3A_105 = tpu.vector_load %arg9[%get3A_104] {strides = array<i32>} : memref<12544xf32, #tpu.memory_space<vmem>>, vector<16xf32>,
      %eq3A_106 = arith.constant 0 : i32
      %eq3A_107 = vector.broadcast %eq3A_106 : i32 to vector<16xi32>
      %eq3A_108 = arith.cmpi eq, %iota3A, %eq3A_107 : vector<16xi32>
      %select_n3A_109 = arith.select %eq3A_108, %get3A_105, %broadcast_in_dim3A_34 : vector<16xi1>, vector<16xf32>
      %reduce_max3A_110 = arith.constant true
      %reduce_max3A_111 = vector.broadcast %reduce_max3A_110 : i1 to vector<16xi1>
      %reduce_max3A_112 = tpu.scan <max>, %select_n3A_109 masked %reduce_max3A_111 : vector<16xf32>, vector<16xi1> -> vector<16xf32>
      %reduce_max3A_113 = vector.extract %reduce_max3A_112[15] : f32 from vector<16xf32>
      %broadcast_in_dim3A_114 = vector.broadcast %reduce_max3A_113 : f32 to vector<16xf32>
      %get3A_115 = arith.constant 0 : index
      %get3A_116 = tpu.vector_load %arg10[%get3A_115] {strides = array<i32>} : memref<12544xf32, #tpu.memory_space<vmem>>, vector<16xf32>,
      %eq3A_117 = arith.constant 0 : i32
      %eq3A_118 = vector.broadcast %eq3A_117 : i32 to vector<16xi32>
      %eq3A_119 = arith.cmpi eq, %iota3A, %eq3A_118 : vector<16xi32>
      %select_n3A_120 = arith.select %eq3A_119, %get3A_116, %broadcast_in_dim3A_34 : vector<16xi1>, vector<16xf32>
      %reduce_max3A_121 = arith.constant true
      %reduce_max3A_122 = vector.broadcast %reduce_max3A_121 : i1 to vector<16xi1>
      %reduce_max3A_123 = tpu.scan <max>, %select_n3A_120 masked %reduce_max3A_122 : vector<16xf32>, vector<16xi1> -> vector<16xf32>
      %reduce_max3A_124 = vector.extract %reduce_max3A_123[15] : f32 from vector<16xf32>
      %broadcast_in_dim3A_125 = vector.broadcast %reduce_max3A_124 : f32 to vector<16xf32>
      %add3A_126 = arith.constant 0 : i32
      %add3A_127 = arith.addi %min3A_38, %add3A_126 : i32
      %broadcast_in_dim3A_128 = vector.broadcast %add3A_127 : i32 to vector<16xi32>
      %add3A_129 = arith.constant 0 : i32
      %add3A_130 = arith.addi %min3A_38, %add3A_129 : i32
      %broadcast_in_dim3A_131 = vector.broadcast %add3A_130 : i32 to vector<16xi32>
      tpu.vector_store_idx %arg13[%broadcast_in_dim3A_128, %broadcast_in_dim3A_131], %broadcast_in_dim3A_103 masked %eq3A_37 : memref<128x3xf32, #tpu.memory_space<vmem>>[vector<16xi32>, vector<16xi32>], vector<16xf32>, vector<16xi1>
      %add3A_132 = arith.constant 0 : i32
      %add3A_133 = arith.addi %min3A_38, %add3A_132 : i32
      %broadcast_in_dim3A_134 = vector.broadcast %add3A_133 : i32 to vector<16xi32>
      %add3A_135 = arith.constant 1 : i32
      %add3A_136 = arith.addi %min3A_38, %add3A_135 : i32
      %broadcast_in_dim3A_137 = vector.broadcast %add3A_136 : i32 to vector<16xi32>
      tpu.vector_store_idx %arg13[%broadcast_in_dim3A_134, %broadcast_in_dim3A_137], %broadcast_in_dim3A_114 masked %eq3A_37 : memref<128x3xf32, #tpu.memory_space<vmem>>[vector<16xi32>, vector<16xi32>], vector<16xf32>, vector<16xi1>
      %add3A_138 = arith.constant 0 : i32
      %add3A_139 = arith.addi %min3A_38, %add3A_138 : i32
      %broadcast_in_dim3A_140 = vector.broadcast %add3A_139 : i32 to vector<16xi32>
      %add3A_141 = arith.constant 2 : i32
      %add3A_142 = arith.addi %min3A_38, %add3A_141 : i32
      %broadcast_in_dim3A_143 = vector.broadcast %add3A_142 : i32 to vector<16xi32>
      tpu.vector_store_idx %arg13[%broadcast_in_dim3A_140, %broadcast_in_dim3A_143], %broadcast_in_dim3A_125 masked %eq3A_37 : memref<128x3xf32, #tpu.memory_space<vmem>>[vector<16xi32>, vector<16xi32>], vector<16xf32>, vector<16xi1>
      %eq3A_144 = arith.constant 0 : i32
      %eq3A_145 = vector.broadcast %eq3A_144 : i32 to vector<16xi32>
      %eq3A_146 = arith.cmpi eq, %iota3A, %eq3A_145 : vector<16xi32>
      %eq3A_147 = arith.constant 1 : i32
      %eq3A_148 = vector.broadcast %eq3A_147 : i32 to vector<16xi32>
      %eq3A_149 = arith.cmpi eq, %iota3A, %eq3A_148 : vector<16xi32>
      %eq3A_150 = arith.constant 2 : i32
      %eq3A_151 = vector.broadcast %eq3A_150 : i32 to vector<16xi32>
      %eq3A_152 = arith.cmpi eq, %iota3A, %eq3A_151 : vector<16xi32>
      %jit3A_153 = arith.constant 0.000000e+00 : f32
      %broadcast_in_dim3A_154 = vector.broadcast %jit3A_153 : f32 to vector<16xf32>
      %select_n3A_155 = arith.select %eq3A_152, %broadcast_in_dim3A_125, %broadcast_in_dim3A_154 : vector<16xi1>, vector<16xf32>
      %select_n3A_156 = arith.select %eq3A_149, %broadcast_in_dim3A_114, %select_n3A_155 : vector<16xi1>, vector<16xf32>
      %select_n3A_157 = arith.select %eq3A_146, %broadcast_in_dim3A_103, %select_n3A_156 : vector<16xi1>, vector<16xf32>
      %swap3A = arith.constant 0 : index
      %swap3A_158 = tpu.vector_load %arg14[%swap3A] {strides = array<i32>} : memref<16xf32, #tpu.memory_space<vmem>>, vector<16xf32>,
      tpu.vector_store %arg14[%swap3A], %select_n3A_157 {strides = array<i32>} : memref<16xf32, #tpu.memory_space<vmem>>, vector<16xf32>,
      "tpu.region"() ({
        %run_scoped3A = tpu.sem_alloc : memref<!tpu.dma_semaphore, #tpu.memory_space<semaphore_mem>>
        %dma_start3A = arith.constant 0 : i32
        %dma_start3A_159 = tpu.memref_slice %arg18[%arg0, %select_n3A, %dma_start3A] : memref<2x2x16xf32, #tpu.memory_space<hbm>> -> memref<1x1x16xf32, #tpu.memory_space<hbm>>
        %dma_start3A_160 = tpu.memref_squeeze %dma_start3A_159 : memref<1x1x16xf32, #tpu.memory_space<hbm>> -> memref<16xf32, #tpu.memory_space<hbm>>
        %dma_start3A_161 = arith.constant 0 : i32
        %dma_start3A_162 = tpu.memref_slice %arg18[%arg0, %select_n3A, %dma_start3A_161] : memref<2x2x16xf32, #tpu.memory_space<hbm>> -> memref<1x1x16xf32, #tpu.memory_space<hbm>>
        %dma_start3A_163 = tpu.memref_squeeze %dma_start3A_162 : memref<1x1x16xf32, #tpu.memory_space<hbm>> -> memref<16xf32, #tpu.memory_space<hbm>>
        tpu.enqueue_dma source(%arg14 : memref<16xf32, #tpu.memory_space<vmem>>) target(%dma_start3A_163 : memref<16xf32, #tpu.memory_space<hbm>>) target_semaphore(%run_scoped3A : memref<!tpu.dma_semaphore, #tpu.memory_space<semaphore_mem>>)
        %dma_wait3A = arith.constant 0 : i32
        %dma_wait3A_164 = tpu.memref_slice %arg18[%arg0, %select_n3A, %dma_wait3A] : memref<2x2x16xf32, #tpu.memory_space<hbm>> -> memref<1x1x16xf32, #tpu.memory_space<hbm>>
        %dma_wait3A_165 = tpu.memref_squeeze %dma_wait3A_164 : memref<1x1x16xf32, #tpu.memory_space<hbm>> -> memref<16xf32, #tpu.memory_space<hbm>>
        %dma_wait3A_166 = arith.constant 0 : i32
        %dma_wait3A_167 = tpu.memref_slice %arg18[%arg0, %select_n3A, %dma_wait3A_166] : memref<2x2x16xf32, #tpu.memory_space<hbm>> -> memref<1x1x16xf32, #tpu.memory_space<hbm>>
        %dma_wait3A_168 = tpu.memref_squeeze %dma_wait3A_167 : memref<1x1x16xf32, #tpu.memory_space<hbm>> -> memref<16xf32, #tpu.memory_space<hbm>>
        tpu.wait_dma2 semaphore(%run_scoped3A : memref<!tpu.dma_semaphore, #tpu.memory_space<semaphore_mem>>) src(%arg14 : memref<16xf32, #tpu.memory_space<vmem>>) dst(%dma_wait3A_168 : memref<16xf32, #tpu.memory_space<hbm>>)
        tpu.yield
      }) : () -> ()
    } else {
    }
    %barrier3A = arith.constant 0 : index
    tpu.barrier barrier_id(%barrier3A)
    "tpu.region"() ({
      %run_scoped3A = tpu.sem_alloc : memref<!tpu.dma_semaphore, #tpu.memory_space<semaphore_mem>>
      %dma_start3A = arith.constant 0 : i32
      %dma_start3A_93 = tpu.memref_slice %arg18[%arg0, %select_n3A, %dma_start3A] : memref<2x2x16xf32, #tpu.memory_space<hbm>> -> memref<1x1x16xf32, #tpu.memory_space<hbm>>
      %dma_start3A_94 = tpu.memref_squeeze %dma_start3A_93 : memref<1x1x16xf32, #tpu.memory_space<hbm>> -> memref<16xf32, #tpu.memory_space<hbm>>
      %dma_start3A_95 = arith.constant 0 : i32
      %dma_start3A_96 = tpu.memref_slice %arg18[%arg0, %select_n3A, %dma_start3A_95] : memref<2x2x16xf32, #tpu.memory_space<hbm>> -> memref<1x1x16xf32, #tpu.memory_space<hbm>>
      %dma_start3A_97 = tpu.memref_squeeze %dma_start3A_96 : memref<1x1x16xf32, #tpu.memory_space<hbm>> -> memref<16xf32, #tpu.memory_space<hbm>>
      tpu.enqueue_dma source(%dma_start3A_97 : memref<16xf32, #tpu.memory_space<hbm>>) target(%arg15 : memref<16xf32, #tpu.memory_space<vmem>>) target_semaphore(%run_scoped3A : memref<!tpu.dma_semaphore, #tpu.memory_space<semaphore_mem>>)
      %dma_wait3A = arith.constant 0 : i32
      %dma_wait3A_98 = tpu.memref_slice %arg18[%arg0, %select_n3A, %dma_wait3A] : memref<2x2x16xf32, #tpu.memory_space<hbm>> -> memref<1x1x16xf32, #tpu.memory_space<hbm>>
      %dma_wait3A_99 = tpu.memref_squeeze %dma_wait3A_98 : memref<1x1x16xf32, #tpu.memory_space<hbm>> -> memref<16xf32, #tpu.memory_space<hbm>>
      %dma_wait3A_100 = arith.constant 0 : i32
      %dma_wait3A_101 = tpu.memref_slice %arg18[%arg0, %select_n3A, %dma_wait3A_100] : memref<2x2x16xf32, #tpu.memory_space<hbm>> -> memref<1x1x16xf32, #tpu.memory_space<hbm>>
      %dma_wait3A_102 = tpu.memref_squeeze %dma_wait3A_101 : memref<1x1x16xf32, #tpu.memory_space<hbm>> -> memref<16xf32, #tpu.memory_space<hbm>>
      tpu.wait_dma2 semaphore(%run_scoped3A : memref<!tpu.dma_semaphore, #tpu.memory_space<semaphore_mem>>) src(%dma_wait3A_102 : memref<16xf32, #tpu.memory_space<hbm>>) dst(%arg15 : memref<16xf32, #tpu.memory_space<vmem>>)
      tpu.yield
    }) : () -> ()
    %get3A = arith.constant 0 : index
    %get3A_52 = tpu.vector_load %arg15[%get3A] {strides = array<i32>} : memref<16xf32, #tpu.memory_space<vmem>>, vector<16xf32>,
    %eq3A_53 = arith.constant 0 : i32
    %eq3A_54 = vector.broadcast %eq3A_53 : i32 to vector<16xi32>
    %eq3A_55 = arith.cmpi eq, %iota3A, %eq3A_54 : vector<16xi32>
    %select_n3A_56 = arith.select %eq3A_55, %get3A_52, %broadcast_in_dim3A_34 : vector<16xi1>, vector<16xf32>
    %reduce_max3A = arith.constant true
    %reduce_max3A_57 = vector.broadcast %reduce_max3A : i1 to vector<16xi1>
    %reduce_max3A_58 = tpu.scan <max>, %select_n3A_56 masked %reduce_max3A_57 : vector<16xf32>, vector<16xi1> -> vector<16xf32>
    %reduce_max3A_59 = vector.extract %reduce_max3A_58[15] : f32 from vector<16xf32>
    %broadcast_in_dim3A_60 = vector.broadcast %reduce_max3A_59 : f32 to vector<16xf32>
    %eq3A_61 = arith.constant 1 : i32
    %eq3A_62 = vector.broadcast %eq3A_61 : i32 to vector<16xi32>
    %eq3A_63 = arith.cmpi eq, %iota3A, %eq3A_62 : vector<16xi32>
    %select_n3A_64 = arith.select %eq3A_63, %get3A_52, %broadcast_in_dim3A_34 : vector<16xi1>, vector<16xf32>
    %reduce_max3A_65 = arith.constant true
    %reduce_max3A_66 = vector.broadcast %reduce_max3A_65 : i1 to vector<16xi1>
    %reduce_max3A_67 = tpu.scan <max>, %select_n3A_64 masked %reduce_max3A_66 : vector<16xf32>, vector<16xi1> -> vector<16xf32>
    %reduce_max3A_68 = vector.extract %reduce_max3A_67[15] : f32 from vector<16xf32>
    %broadcast_in_dim3A_69 = vector.broadcast %reduce_max3A_68 : f32 to vector<16xf32>
    %eq3A_70 = arith.constant 2 : i32
    %eq3A_71 = vector.broadcast %eq3A_70 : i32 to vector<16xi32>
    %eq3A_72 = arith.cmpi eq, %iota3A, %eq3A_71 : vector<16xi32>
    %select_n3A_73 = arith.select %eq3A_72, %get3A_52, %broadcast_in_dim3A_34 : vector<16xi1>, vector<16xf32>
    %reduce_max3A_74 = arith.constant true
    %reduce_max3A_75 = vector.broadcast %reduce_max3A_74 : i1 to vector<16xi1>
    %reduce_max3A_76 = tpu.scan <max>, %select_n3A_73 masked %reduce_max3A_75 : vector<16xf32>, vector<16xi1> -> vector<16xf32>
    %reduce_max3A_77 = vector.extract %reduce_max3A_76[15] : f32 from vector<16xf32>
    %broadcast_in_dim3A_78 = vector.broadcast %reduce_max3A_77 : f32 to vector<16xf32>
    %mul3A_79 = arith.constant 12500 : i32
    %mul3A_80 = arith.muli %select_n3A_28, %mul3A_79 : i32
    %scan3A_81 = arith.constant 3.000000e+09 : f32
    %scan3A_82 = arith.constant 1 : i32
    %scan3A_83 = arith.constant 127 : i32
    %scan3A_84 = arith.addi %scan3A_82, %scan3A_83 : i32
    %scan3A_85 = arith.constant 1 : i32
    %scan3A_86:3 = scf.for %scan3A_93 = %scan3A_82 to %scan3A_84 step %scan3A_85 iter_args(%scan3A_94 = %broadcast_in_dim3A_60, %scan3A_95 = %broadcast_in_dim3A_69, %scan3A_96 = %broadcast_in_dim3A_78) -> (vector<16xf32>, vector<16xf32>, vector<16xf32>)  : i32 {
      %broadcast_in_dim3A_97 = vector.broadcast %min3A_38 : i32 to vector<16xi32>
      %parallel_loop3A = arith.constant 0 : i32
      %parallel_loop3A_98 = arith.constant 784 : i32
      %parallel_loop3A_99 = arith.constant 1 : i32
      %parallel_loop3A_100:2 = scf.for %parallel_loop3A_218 = %parallel_loop3A to %parallel_loop3A_98 step %parallel_loop3A_99 iter_args(%parallel_loop3A_219 = %broadcast_in_dim3A_34, %parallel_loop3A_220 = %broadcast_in_dim3A_97) -> (vector<16xf32>, vector<16xi32>)  : i32 {
        %parallel_loop3A_221 = arith.constant 16 : i32
        %parallel_loop3A_222 = arith.muli %parallel_loop3A_218, %parallel_loop3A_221 : i32
        %parallel_loop3A_223 = arith.index_cast %parallel_loop3A_222 : i32 to index
        %parallel_loop3A_224 = tpu.vector_load %arg8[%parallel_loop3A_223] {strides = array<i32>} : memref<12544xf32, #tpu.memory_space<vmem>>, vector<16xf32>,
        %parallel_loop3A_225 = arith.subf %parallel_loop3A_224, %scan3A_94 : vector<16xf32>
        %parallel_loop3A_226 = arith.index_cast %parallel_loop3A_222 : i32 to index
        %parallel_loop3A_227 = tpu.vector_load %arg9[%parallel_loop3A_226] {strides = array<i32>} : memref<12544xf32, #tpu.memory_space<vmem>>, vector<16xf32>,
        %parallel_loop3A_228 = arith.subf %parallel_loop3A_227, %scan3A_95 : vector<16xf32>
        %parallel_loop3A_229 = arith.index_cast %parallel_loop3A_222 : i32 to index
        %parallel_loop3A_230 = tpu.vector_load %arg10[%parallel_loop3A_229] {strides = array<i32>} : memref<12544xf32, #tpu.memory_space<vmem>>, vector<16xf32>,
        %parallel_loop3A_231 = arith.subf %parallel_loop3A_230, %scan3A_96 : vector<16xf32>
        %parallel_loop3A_232 = arith.mulf %parallel_loop3A_225, %parallel_loop3A_225 : vector<16xf32>
        %parallel_loop3A_233 = arith.mulf %parallel_loop3A_228, %parallel_loop3A_228 : vector<16xf32>
        %parallel_loop3A_234 = arith.addf %parallel_loop3A_232, %parallel_loop3A_233 : vector<16xf32>
        %parallel_loop3A_235 = arith.mulf %parallel_loop3A_231, %parallel_loop3A_231 : vector<16xf32>
        %parallel_loop3A_236 = arith.addf %parallel_loop3A_234, %parallel_loop3A_235 : vector<16xf32>
        %parallel_loop3A_237 = arith.index_cast %parallel_loop3A_222 : i32 to index
        %parallel_loop3A_238 = tpu.vector_load %arg11[%parallel_loop3A_237] {strides = array<i32>} : memref<12544xf32, #tpu.memory_space<vmem>>, vector<16xf32>,
        %parallel_loop3A_239 = arith.minimumf %parallel_loop3A_238, %parallel_loop3A_236 : vector<16xf32>
        %parallel_loop3A_240 = arith.index_cast %parallel_loop3A_222 : i32 to index
        %parallel_loop3A_241 = tpu.vector_load %arg11[%parallel_loop3A_240] {strides = array<i32>} : memref<12544xf32, #tpu.memory_space<vmem>>, vector<16xf32>,
        tpu.vector_store %arg11[%parallel_loop3A_240], %parallel_loop3A_239 {strides = array<i32>} : memref<12544xf32, #tpu.memory_space<vmem>>, vector<16xf32>,
        %parallel_loop3A_242 = arith.cmpf ogt, %parallel_loop3A_239, %parallel_loop3A_219 : vector<16xf32>
        %parallel_loop3A_243 = arith.select %parallel_loop3A_242, %parallel_loop3A_239, %parallel_loop3A_219 : vector<16xi1>, vector<16xf32>
        %parallel_loop3A_244 = vector.broadcast %parallel_loop3A_218 : i32 to vector<16xi32>
        %parallel_loop3A_245 = arith.select %parallel_loop3A_242, %parallel_loop3A_244, %parallel_loop3A_220 : vector<16xi1>, vector<16xi32>
        scf.yield %parallel_loop3A_243, %parallel_loop3A_245 : vector<16xf32>, vector<16xi32>
      } {sc.loop_unroll_factor = 16 : i64, sc.parallel_access}
      %reduce_max3A_101 = arith.constant true
      %reduce_max3A_102 = vector.broadcast %reduce_max3A_101 : i1 to vector<16xi1>
      %reduce_max3A_103 = tpu.scan <max>, %parallel_loop3A_100#0 masked %reduce_max3A_102 : vector<16xf32>, vector<16xi1> -> vector<16xf32>
      %reduce_max3A_104 = vector.extract %reduce_max3A_103[15] : f32 from vector<16xf32>
      %mul3A_105 = arith.constant 16 : i32
      %mul3A_106 = vector.broadcast %mul3A_105 : i32 to vector<16xi32>
      %mul3A_107 = arith.muli %parallel_loop3A_100#1, %mul3A_106 : vector<16xi32>
      %add3A_108 = vector.broadcast %mul3A_80 : i32 to vector<16xi32>
      %add3A_109 = arith.addi %add3A_108, %mul3A_107 : vector<16xi32>
      %add3A_110 = arith.addi %add3A_109, %iota3A : vector<16xi32>
      %broadcast_in_dim3A_111 = vector.broadcast %reduce_max3A_104 : f32 to vector<16xf32>
      %eq3A_112 = arith.cmpf oeq, %parallel_loop3A_100#0, %broadcast_in_dim3A_111 : vector<16xf32>
      %jit3A_113 = arith.constant 2147483647 : i32
      %broadcast_in_dim3A_114 = vector.broadcast %jit3A_113 : i32 to vector<16xi32>
      %select_n3A_115 = arith.select %eq3A_112, %add3A_110, %broadcast_in_dim3A_114 : vector<16xi1>, vector<16xi32>
      %reduce_min3A = arith.constant true
      %reduce_min3A_116 = vector.broadcast %reduce_min3A : i1 to vector<16xi1>
      %reduce_min3A_117 = arith.constant -2147483648 : i32
      %reduce_min3A_118 = vector.broadcast %reduce_min3A_117 : i32 to vector<16xi32>
      %reduce_min3A_119 = arith.xori %select_n3A_115, %reduce_min3A_118 : vector<16xi32>
      %reduce_min3A_120 = tpu.scan <min>, %reduce_min3A_119 masked %reduce_min3A_116 : vector<16xi32>, vector<16xi1> -> vector<16xi32>
      %reduce_min3A_121 = arith.xori %reduce_min3A_120, %reduce_min3A_118 : vector<16xi32>
      %reduce_min3A_122 = vector.extract %reduce_min3A_121[15] : i32 from vector<16xi32>
      %sub3A_123 = arith.subi %reduce_min3A_122, %mul3A_80 : i32
      %broadcast_in_dim3A_124 = vector.broadcast %sub3A_123 : i32 to vector<16xi32>
      %gather3A = tpu.vector_load_idx %arg8[%broadcast_in_dim3A_124] : memref<12544xf32, #tpu.memory_space<vmem>>[vector<16xi32>], vector<16xf32>,
      %gather3A_125 = tpu.vector_load_idx %arg9[%broadcast_in_dim3A_124] : memref<12544xf32, #tpu.memory_space<vmem>>[vector<16xi32>], vector<16xf32>,
      %gather3A_126 = tpu.vector_load_idx %arg10[%broadcast_in_dim3A_124] : memref<12544xf32, #tpu.memory_space<vmem>>[vector<16xi32>], vector<16xf32>,
      %eq3A_127 = arith.constant 0 : i32
      %eq3A_128 = vector.broadcast %eq3A_127 : i32 to vector<16xi32>
      %eq3A_129 = arith.cmpi eq, %iota3A, %eq3A_128 : vector<16xi32>
      %broadcast_in_dim3A_130 = vector.broadcast %reduce_max3A_104 : f32 to vector<16xf32>
      %eq3A_131 = arith.constant 1 : i32
      %eq3A_132 = vector.broadcast %eq3A_131 : i32 to vector<16xi32>
      %eq3A_133 = arith.cmpi eq, %iota3A, %eq3A_132 : vector<16xi32>
      %eq3A_134 = arith.constant 2 : i32
      %eq3A_135 = vector.broadcast %eq3A_134 : i32 to vector<16xi32>
      %eq3A_136 = arith.cmpi eq, %iota3A, %eq3A_135 : vector<16xi32>
      %eq3A_137 = arith.constant 3 : i32
      %eq3A_138 = vector.broadcast %eq3A_137 : i32 to vector<16xi32>
      %eq3A_139 = arith.cmpi eq, %iota3A, %eq3A_138 : vector<16xi32>
      %convert_element_type3A_140 = arith.sitofp %reduce_min3A_122 : i32 to f32
      %broadcast_in_dim3A_141 = vector.broadcast %convert_element_type3A_140 : f32 to vector<16xf32>
      %select_n3A_142 = arith.select %eq3A_139, %gather3A_126, %broadcast_in_dim3A_141 : vector<16xi1>, vector<16xf32>
      %select_n3A_143 = arith.select %eq3A_136, %gather3A_125, %select_n3A_142 : vector<16xi1>, vector<16xf32>
      %select_n3A_144 = arith.select %eq3A_133, %gather3A, %select_n3A_143 : vector<16xi1>, vector<16xf32>
      %select_n3A_145 = arith.select %eq3A_129, %broadcast_in_dim3A_130, %select_n3A_144 : vector<16xi1>, vector<16xf32>
      %swap3A = arith.constant 0 : index
      %swap3A_146 = tpu.vector_load %arg14[%swap3A] {strides = array<i32>} : memref<16xf32, #tpu.memory_space<vmem>>, vector<16xf32>,
      tpu.vector_store %arg14[%swap3A], %select_n3A_145 {strides = array<i32>} : memref<16xf32, #tpu.memory_space<vmem>>, vector<16xf32>,
      %and3A_147 = arith.constant 1 : i32
      %and3A_148 = arith.andi %scan3A_93, %and3A_147 : i32
      "tpu.region"() ({
        %run_scoped3A = tpu.sem_alloc : memref<!tpu.dma_semaphore, #tpu.memory_space<semaphore_mem>>
        %dma_start3A = arith.constant 0 : i32
        %dma_start3A_218 = tpu.memref_slice %arg17[%arg0, %select_n3A, %and3A_148, %select_n3A_28, %dma_start3A] : memref<2x2x2x8x16xf32, #tpu.memory_space<hbm>> -> memref<1x1x1x1x16xf32, #tpu.memory_space<hbm>>
        %dma_start3A_219 = tpu.memref_squeeze %dma_start3A_218 : memref<1x1x1x1x16xf32, #tpu.memory_space<hbm>> -> memref<16xf32, #tpu.memory_space<hbm>>
        %dma_start3A_220 = arith.constant 0 : i32
        %dma_start3A_221 = tpu.memref_slice %arg17[%arg0, %select_n3A, %and3A_148, %select_n3A_28, %dma_start3A_220] : memref<2x2x2x8x16xf32, #tpu.memory_space<hbm>> -> memref<1x1x1x1x16xf32, #tpu.memory_space<hbm>>
        %dma_start3A_222 = tpu.memref_squeeze %dma_start3A_221 : memref<1x1x1x1x16xf32, #tpu.memory_space<hbm>> -> memref<16xf32, #tpu.memory_space<hbm>>
        tpu.enqueue_dma source(%arg14 : memref<16xf32, #tpu.memory_space<vmem>>) target(%dma_start3A_222 : memref<16xf32, #tpu.memory_space<hbm>>) target_semaphore(%run_scoped3A : memref<!tpu.dma_semaphore, #tpu.memory_space<semaphore_mem>>)
        %dma_wait3A = arith.constant 0 : i32
        %dma_wait3A_223 = tpu.memref_slice %arg17[%arg0, %select_n3A, %and3A_148, %select_n3A_28, %dma_wait3A] : memref<2x2x2x8x16xf32, #tpu.memory_space<hbm>> -> memref<1x1x1x1x16xf32, #tpu.memory_space<hbm>>
        %dma_wait3A_224 = tpu.memref_squeeze %dma_wait3A_223 : memref<1x1x1x1x16xf32, #tpu.memory_space<hbm>> -> memref<16xf32, #tpu.memory_space<hbm>>
        %dma_wait3A_225 = arith.constant 0 : i32
        %dma_wait3A_226 = tpu.memref_slice %arg17[%arg0, %select_n3A, %and3A_148, %select_n3A_28, %dma_wait3A_225] : memref<2x2x2x8x16xf32, #tpu.memory_space<hbm>> -> memref<1x1x1x1x16xf32, #tpu.memory_space<hbm>>
        %dma_wait3A_227 = tpu.memref_squeeze %dma_wait3A_226 : memref<1x1x1x1x16xf32, #tpu.memory_space<hbm>> -> memref<16xf32, #tpu.memory_space<hbm>>
        tpu.wait_dma2 semaphore(%run_scoped3A : memref<!tpu.dma_semaphore, #tpu.memory_space<semaphore_mem>>) src(%arg14 : memref<16xf32, #tpu.memory_space<vmem>>) dst(%dma_wait3A_227 : memref<16xf32, #tpu.memory_space<hbm>>)
        tpu.yield
      }) : () -> ()
      %barrier3A_149 = arith.constant 0 : index
      tpu.barrier barrier_id(%barrier3A_149)
      "tpu.region"() ({
        %run_scoped3A = tpu.sem_alloc : memref<!tpu.dma_semaphore, #tpu.memory_space<semaphore_mem>>
        %dma_start3A = arith.constant 0 : i32
        %dma_start3A_218 = arith.constant 0 : i32
        %dma_start3A_219 = tpu.memref_slice %arg17[%arg0, %select_n3A, %and3A_148, %dma_start3A, %dma_start3A_218] : memref<2x2x2x8x16xf32, #tpu.memory_space<hbm>> -> memref<1x1x1x8x16xf32, #tpu.memory_space<hbm>>
        %dma_start3A_220 = tpu.memref_squeeze %dma_start3A_219 : memref<1x1x1x8x16xf32, #tpu.memory_space<hbm>> -> memref<8x16xf32, #tpu.memory_space<hbm>>
        %dma_start3A_221 = arith.constant 0 : i32
        %dma_start3A_222 = arith.constant 0 : i32
        %dma_start3A_223 = tpu.memref_slice %arg17[%arg0, %select_n3A, %and3A_148, %dma_start3A_221, %dma_start3A_222] : memref<2x2x2x8x16xf32, #tpu.memory_space<hbm>> -> memref<1x1x1x8x16xf32, #tpu.memory_space<hbm>>
        %dma_start3A_224 = tpu.memref_squeeze %dma_start3A_223 : memref<1x1x1x8x16xf32, #tpu.memory_space<hbm>> -> memref<8x16xf32, #tpu.memory_space<hbm>>
        tpu.enqueue_dma source(%dma_start3A_224 : memref<8x16xf32, #tpu.memory_space<hbm>>) target(%arg16 : memref<8x16xf32, #tpu.memory_space<vmem>>) target_semaphore(%run_scoped3A : memref<!tpu.dma_semaphore, #tpu.memory_space<semaphore_mem>>)
        %dma_wait3A = arith.constant 0 : i32
        %dma_wait3A_225 = arith.constant 0 : i32
        %dma_wait3A_226 = tpu.memref_slice %arg17[%arg0, %select_n3A, %and3A_148, %dma_wait3A, %dma_wait3A_225] : memref<2x2x2x8x16xf32, #tpu.memory_space<hbm>> -> memref<1x1x1x8x16xf32, #tpu.memory_space<hbm>>
        %dma_wait3A_227 = tpu.memref_squeeze %dma_wait3A_226 : memref<1x1x1x8x16xf32, #tpu.memory_space<hbm>> -> memref<8x16xf32, #tpu.memory_space<hbm>>
        %dma_wait3A_228 = arith.constant 0 : i32
        %dma_wait3A_229 = arith.constant 0 : i32
        %dma_wait3A_230 = tpu.memref_slice %arg17[%arg0, %select_n3A, %and3A_148, %dma_wait3A_228, %dma_wait3A_229] : memref<2x2x2x8x16xf32, #tpu.memory_space<hbm>> -> memref<1x1x1x8x16xf32, #tpu.memory_space<hbm>>
        %dma_wait3A_231 = tpu.memref_squeeze %dma_wait3A_230 : memref<1x1x1x8x16xf32, #tpu.memory_space<hbm>> -> memref<8x16xf32, #tpu.memory_space<hbm>>
        tpu.wait_dma2 semaphore(%run_scoped3A : memref<!tpu.dma_semaphore, #tpu.memory_space<semaphore_mem>>) src(%dma_wait3A_231 : memref<8x16xf32, #tpu.memory_space<hbm>>) dst(%arg16 : memref<8x16xf32, #tpu.memory_space<vmem>>)
        tpu.yield
      }) : () -> ()
      %min3A_150 = arith.constant 7 : i32
      %min3A_151 = vector.broadcast %min3A_150 : i32 to vector<16xi32>
      %min3A_152 = arith.minsi %iota3A, %min3A_151 : vector<16xi32>
      %lt3A_153 = arith.constant 8 : i32
      %lt3A_154 = vector.broadcast %lt3A_153 : i32 to vector<16xi32>
      %lt3A_155 = arith.cmpi slt, %iota3A, %lt3A_154 : vector<16xi32>
      %add3A_156 = arith.constant 0 : i32
      %add3A_157 = arith.addi %min3A_38, %add3A_156 : i32
      %broadcast_in_dim3A_158 = vector.broadcast %add3A_157 : i32 to vector<16xi32>
      %gather3A_159 = tpu.vector_load_idx %arg16[%min3A_152, %broadcast_in_dim3A_158] : memref<8x16xf32, #tpu.memory_space<vmem>>[vector<16xi32>, vector<16xi32>], vector<16xf32>,
      %select_n3A_160 = arith.select %lt3A_155, %gather3A_159, %broadcast_in_dim3A_34 : vector<16xi1>, vector<16xf32>
      %add3A_161 = arith.constant 1 : i32
      %add3A_162 = arith.addi %min3A_38, %add3A_161 : i32
      %broadcast_in_dim3A_163 = vector.broadcast %add3A_162 : i32 to vector<16xi32>
      %gather3A_164 = tpu.vector_load_idx %arg16[%min3A_152, %broadcast_in_dim3A_163] : memref<8x16xf32, #tpu.memory_space<vmem>>[vector<16xi32>, vector<16xi32>], vector<16xf32>,
      %add3A_165 = arith.constant 2 : i32
      %add3A_166 = arith.addi %min3A_38, %add3A_165 : i32
      %broadcast_in_dim3A_167 = vector.broadcast %add3A_166 : i32 to vector<16xi32>
      %gather3A_168 = tpu.vector_load_idx %arg16[%min3A_152, %broadcast_in_dim3A_167] : memref<8x16xf32, #tpu.memory_space<vmem>>[vector<16xi32>, vector<16xi32>], vector<16xf32>,
      %add3A_169 = arith.constant 3 : i32
      %add3A_170 = arith.addi %min3A_38, %add3A_169 : i32
      %broadcast_in_dim3A_171 = vector.broadcast %add3A_170 : i32 to vector<16xi32>
      %gather3A_172 = tpu.vector_load_idx %arg16[%min3A_152, %broadcast_in_dim3A_171] : memref<8x16xf32, #tpu.memory_space<vmem>>[vector<16xi32>, vector<16xi32>], vector<16xf32>,
      %add3A_173 = arith.constant 4 : i32
      %add3A_174 = arith.addi %min3A_38, %add3A_173 : i32
      %broadcast_in_dim3A_175 = vector.broadcast %add3A_174 : i32 to vector<16xi32>
      %gather3A_176 = tpu.vector_load_idx %arg16[%min3A_152, %broadcast_in_dim3A_175] : memref<8x16xf32, #tpu.memory_space<vmem>>[vector<16xi32>, vector<16xi32>], vector<16xf32>,
      %broadcast_in_dim3A_177 = vector.broadcast %scan3A_81 : f32 to vector<16xf32>
      %select_n3A_178 = arith.select %lt3A_155, %gather3A_176, %broadcast_in_dim3A_177 : vector<16xi1>, vector<16xf32>
      %reduce_max3A_179 = arith.constant true
      %reduce_max3A_180 = vector.broadcast %reduce_max3A_179 : i1 to vector<16xi1>
      %reduce_max3A_181 = tpu.scan <max>, %select_n3A_160 masked %reduce_max3A_180 : vector<16xf32>, vector<16xi1> -> vector<16xf32>
      %reduce_max3A_182 = vector.extract %reduce_max3A_181[15] : f32 from vector<16xf32>
      %broadcast_in_dim3A_183 = vector.broadcast %reduce_max3A_182 : f32 to vector<16xf32>
      %eq3A_184 = arith.cmpf oeq, %select_n3A_160, %broadcast_in_dim3A_183 : vector<16xf32>
      %and3A_185 = arith.andi %eq3A_184, %lt3A_155 : vector<16xi1>
      %broadcast_in_dim3A_186 = vector.broadcast %scan3A_81 : f32 to vector<16xf32>
      %select_n3A_187 = arith.select %and3A_185, %select_n3A_178, %broadcast_in_dim3A_186 : vector<16xi1>, vector<16xf32>
      %reduce_min3A_188 = arith.constant true
      %reduce_min3A_189 = vector.broadcast %reduce_min3A_188 : i1 to vector<16xi1>
      %reduce_min3A_190 = tpu.scan <min>, %select_n3A_187 masked %reduce_min3A_189 : vector<16xf32>, vector<16xi1> -> vector<16xf32>
      %reduce_min3A_191 = vector.extract %reduce_min3A_190[15] : f32 from vector<16xf32>
      %broadcast_in_dim3A_192 = vector.broadcast %reduce_min3A_191 : f32 to vector<16xf32>
      %eq3A_193 = arith.cmpf oeq, %select_n3A_178, %broadcast_in_dim3A_192 : vector<16xf32>
      %and3A_194 = arith.andi %and3A_185, %eq3A_193 : vector<16xi1>
      %select_n3A_195 = arith.select %and3A_194, %gather3A_164, %broadcast_in_dim3A_34 : vector<16xi1>, vector<16xf32>
      %reduce_max3A_196 = arith.constant true
      %reduce_max3A_197 = vector.broadcast %reduce_max3A_196 : i1 to vector<16xi1>
      %reduce_max3A_198 = tpu.scan <max>, %select_n3A_195 masked %reduce_max3A_197 : vector<16xf32>, vector<16xi1> -> vector<16xf32>
      %reduce_max3A_199 = vector.extract %reduce_max3A_198[15] : f32 from vector<16xf32>
      %broadcast_in_dim3A_200 = vector.broadcast %reduce_max3A_199 : f32 to vector<16xf32>
      %select_n3A_201 = arith.select %and3A_194, %gather3A_168, %broadcast_in_dim3A_34 : vector<16xi1>, vector<16xf32>
      %reduce_max3A_202 = arith.constant true
      %reduce_max3A_203 = vector.broadcast %reduce_max3A_202 : i1 to vector<16xi1>
      %reduce_max3A_204 = tpu.scan <max>, %select_n3A_201 masked %reduce_max3A_203 : vector<16xf32>, vector<16xi1> -> vector<16xf32>
      %reduce_max3A_205 = vector.extract %reduce_max3A_204[15] : f32 from vector<16xf32>
      %broadcast_in_dim3A_206 = vector.broadcast %reduce_max3A_205 : f32 to vector<16xf32>
      %select_n3A_207 = arith.select %and3A_194, %gather3A_172, %broadcast_in_dim3A_34 : vector<16xi1>, vector<16xf32>
      %reduce_max3A_208 = arith.constant true
      %reduce_max3A_209 = vector.broadcast %reduce_max3A_208 : i1 to vector<16xi1>
      %reduce_max3A_210 = tpu.scan <max>, %select_n3A_207 masked %reduce_max3A_209 : vector<16xf32>, vector<16xi1> -> vector<16xf32>
      %reduce_max3A_211 = vector.extract %reduce_max3A_210[15] : f32 from vector<16xf32>
      %broadcast_in_dim3A_212 = vector.broadcast %reduce_max3A_211 : f32 to vector<16xf32>
      %eq3A_213 = arith.constant 0 : i32
      %eq3A_214 = arith.cmpi eq, %select_n3A_28, %eq3A_213 : i32
      %convert_element_type3A_215 = arith.extui %eq3A_214 : i1 to i32
      %cond3A_216 = arith.constant 0 : i32
      %cond3A_217 = arith.cmpi ne, %convert_element_type3A_215, %cond3A_216 : i32
      scf.if %cond3A_217 {
        %broadcast_in_dim3A_218 = vector.broadcast %scan3A_93 : i32 to vector<16xi32>
        %add3A_219 = arith.constant 0 : i32
        %add3A_220 = arith.addi %min3A_38, %add3A_219 : i32
        %broadcast_in_dim3A_221 = vector.broadcast %add3A_220 : i32 to vector<16xi32>
        tpu.vector_store_idx %arg13[%broadcast_in_dim3A_218, %broadcast_in_dim3A_221], %broadcast_in_dim3A_200 masked %eq3A_37 : memref<128x3xf32, #tpu.memory_space<vmem>>[vector<16xi32>, vector<16xi32>], vector<16xf32>, vector<16xi1>
        %add3A_222 = arith.constant 1 : i32
        %add3A_223 = arith.addi %min3A_38, %add3A_222 : i32
        %broadcast_in_dim3A_224 = vector.broadcast %add3A_223 : i32 to vector<16xi32>
        tpu.vector_store_idx %arg13[%broadcast_in_dim3A_218, %broadcast_in_dim3A_224], %broadcast_in_dim3A_206 masked %eq3A_37 : memref<128x3xf32, #tpu.memory_space<vmem>>[vector<16xi32>, vector<16xi32>], vector<16xf32>, vector<16xi1>
        %add3A_225 = arith.constant 2 : i32
        %add3A_226 = arith.addi %min3A_38, %add3A_225 : i32
        %broadcast_in_dim3A_227 = vector.broadcast %add3A_226 : i32 to vector<16xi32>
        tpu.vector_store_idx %arg13[%broadcast_in_dim3A_218, %broadcast_in_dim3A_227], %broadcast_in_dim3A_212 masked %eq3A_37 : memref<128x3xf32, #tpu.memory_space<vmem>>[vector<16xi32>, vector<16xi32>], vector<16xf32>, vector<16xi1>
      } else {
      }
      scf.yield %broadcast_in_dim3A_200, %broadcast_in_dim3A_206, %broadcast_in_dim3A_212 : vector<16xf32>, vector<16xf32>, vector<16xf32>
    }
    %scan3A_87 = arith.constant 127 : i32
    %eq3A_88 = arith.constant 0 : i32
    %eq3A_89 = arith.cmpi eq, %select_n3A_28, %eq3A_88 : i32
    %convert_element_type3A_90 = arith.extui %eq3A_89 : i1 to i32
    %cond3A_91 = arith.constant 0 : i32
    %cond3A_92 = arith.cmpi ne, %convert_element_type3A_90, %cond3A_91 : i32
    scf.if %cond3A_92 {
      "tpu.region"() ({
        %run_scoped3A = tpu.sem_alloc : memref<!tpu.dma_semaphore, #tpu.memory_space<semaphore_mem>>
        %dma_start3A = arith.constant 0 : i32
        %dma_start3A_93 = arith.constant 0 : i32
        %dma_start3A_94 = tpu.memref_slice %arg7[%add3A_30, %dma_start3A, %dma_start3A_93] : memref<4x128x3xf32, #tpu.memory_space<hbm>> -> memref<1x128x3xf32, #tpu.memory_space<hbm>>
        %dma_start3A_95 = tpu.memref_squeeze %dma_start3A_94 : memref<1x128x3xf32, #tpu.memory_space<hbm>> -> memref<128x3xf32, #tpu.memory_space<hbm>>
        %dma_start3A_96 = arith.constant 0 : i32
        %dma_start3A_97 = arith.constant 0 : i32
        %dma_start3A_98 = tpu.memref_slice %arg7[%add3A_30, %dma_start3A_96, %dma_start3A_97] : memref<4x128x3xf32, #tpu.memory_space<hbm>> -> memref<1x128x3xf32, #tpu.memory_space<hbm>>
        %dma_start3A_99 = tpu.memref_squeeze %dma_start3A_98 : memref<1x128x3xf32, #tpu.memory_space<hbm>> -> memref<128x3xf32, #tpu.memory_space<hbm>>
        tpu.enqueue_dma source(%arg13 : memref<128x3xf32, #tpu.memory_space<vmem>>) target(%dma_start3A_99 : memref<128x3xf32, #tpu.memory_space<hbm>>) target_semaphore(%run_scoped3A : memref<!tpu.dma_semaphore, #tpu.memory_space<semaphore_mem>>)
        %dma_wait3A = arith.constant 0 : i32
        %dma_wait3A_100 = arith.constant 0 : i32
        %dma_wait3A_101 = tpu.memref_slice %arg7[%add3A_30, %dma_wait3A, %dma_wait3A_100] : memref<4x128x3xf32, #tpu.memory_space<hbm>> -> memref<1x128x3xf32, #tpu.memory_space<hbm>>
        %dma_wait3A_102 = tpu.memref_squeeze %dma_wait3A_101 : memref<1x128x3xf32, #tpu.memory_space<hbm>> -> memref<128x3xf32, #tpu.memory_space<hbm>>
        %dma_wait3A_103 = arith.constant 0 : i32
        %dma_wait3A_104 = arith.constant 0 : i32
        %dma_wait3A_105 = tpu.memref_slice %arg7[%add3A_30, %dma_wait3A_103, %dma_wait3A_104] : memref<4x128x3xf32, #tpu.memory_space<hbm>> -> memref<1x128x3xf32, #tpu.memory_space<hbm>>
        %dma_wait3A_106 = tpu.memref_squeeze %dma_wait3A_105 : memref<1x128x3xf32, #tpu.memory_space<hbm>> -> memref<128x3xf32, #tpu.memory_space<hbm>>
        tpu.wait_dma2 semaphore(%run_scoped3A : memref<!tpu.dma_semaphore, #tpu.memory_space<semaphore_mem>>) src(%arg13 : memref<128x3xf32, #tpu.memory_space<vmem>>) dst(%dma_wait3A_106 : memref<128x3xf32, #tpu.memory_space<hbm>>)
        tpu.yield
      }) : () -> ()
    } else {
    }
    return
  }
}

</mosaic_0001>

<sc_bundles>
// kernel: kernel.3.cloned.1.call-start
scs
__scs_entry_jumppad:
0x0: {  	(pc) =	sbr.rel $0x88, $3  }
0x1: {  	(tag) =	ssettag $0x0;
	lr =	simm.s32 $0x1  }
0x2: {  	[smem:$0x3F9F] =	sst lr;
	_ =	strace $0xD0000000  }
0x3: {  	_ = 	snop  }
0x4: {  	_ = 	snop  }
0x5: {  	_ = 	snop  }
0x6: {  	_ = 	snop  }
0x7: {  	_ = 	snop  }
__scs_overlays_trampoline_lowered:
0x8: {  	[smem:$0x3FAE] =	sst s0  }
0x9: {  	[smem:$0x3FAF] =	sst s1  }
0xa: {  	[smem:$0x3FB0] =	sst s2  }
0xb: {  	[smem:$0x3FB1] =	sst s3  }
0xc: {  	[smem:$0x3FB2] =	sst s4  }
0xd: {  	[smem:$0x3FB3] =	sst s5  }
0xe: {  	[smem:$0x3FB4] =	sst s6  }
0xf: {  	[smem:$0x3FB5] =	sst s7  }
0x10: {  	[smem:$0x3FB6] =	sst s8  }
0x11: {  	[smem:$0x3FB7] =	sst s9;
	s0 =	simm.s32 @!p0 $0x0  }
0x12: {  	s1 =	sld [smem:$0x3F9D];
	s0 =	simm.s32 @p0 $0x1  }
0x13: {  	[smem:$0x3FB8] =	sst s0;
	s0 =	simm.s32 @!p1 $0x0  }
0x14: {  	s2 =	sld [smem:$0x3F9C];
	s0 =	simm.s32 @p1 $0x1  }
0x15: {  	[smem:$0x3FB9] =	sst s0;
	s0 =	simm.s32 @!p2 $0x0  }
0x16: {  	s3 =	sld [smem:$0x3FDB];
	s0 =	simm.s32 @p2 $0x1  }
0x17: {  	s4 =	simm.s32 $0x1BF5;
	[smem:$0x3FBB] =	sst s0  }
0x18: {  	s0 =	sld [smem:$0x3F9E];
	_ =	swait.ge [sflag:s4], $0x0  }
0x19: {  	s7 =	sld [smem:$0x3F9F]  }
0x1a: {  	s8 =	sadd.s32 $0xFFFFE003, lr  }
0x1b: {  	s9 =	sadd.s32 $0xFFFFFEF7, lr;
	s5 =	simm.s32 $0xFFFFFFFF;
	p2 =	slt.u32 s8, $0xFFFFF086  }
0x1c: {  	p1 =	slt.u32 s9, $0xF7A;
	s5 =	simm.s32 @!p2 $0x0  }
0x1d: {  	s5 =	simm.s32 @p1 $0x1;
	p0 =	seq.s32 s7, s2  }
0x1e: {  	s7 =	smul.u32 @!p0 $0xF7A, s2;
	p2 =	seq.s32 @!p0 s5, $0x0  }
0x1f: {  	s9 =	smul.u32 $0xF7A, s1;
	s8 =	simm.s32 @!p0 $0x1BF5;
	p2 =	por !p2, p0  }
0x20: {  	[sflag:s8] =	ssyncset.s32 @!p0 $0xFFFFF086;
	s6 =	sadd.s32 @!p0 s3, s7;
	s7 =	simm.s32 @!p0 $0x108  }
0x21: {  	s3 =	sadd.s32 s3, s9;
	s6 =	sadd.s32 @!p0 $0x88, s6;
	s7 =	simm.s32 @p2 $0x1082  }
0x22: {  	[simem:s7], [sflag:s8] =	dma.local @!p0 [hbm:s6], $0xF7A  }
0x23: {  	s9 =	sor.u32 $0xD0000000, s2;
	s6 =	simm.s32 $0x108;
	_ =	swait.ge @!p0 [sflag:s8], $0x0  }
0x24: {  	s3 =	sadd.s32 $0x88, s3;
	s6 =	simm.s32 @!p1 $0x1082;
	[sflag:s4] =	ssyncset.s32 $0xFFFFF086  }
0x25: {  	[simem:s6], [sflag:s4] =	dma.local [hbm:s3], $0xF7A  }
0x26: {  	[smem:$0x3F9F] =	sst s1;
	(tag) =	ssettag s2;
	_ =	strace s9  }
0x27: {  	s1 =	sld [smem:$0x3FAF]  }
0x28: {  	s2 =	sld [smem:$0x3FB0]  }
0x29: {  	s4 =	sld [smem:$0x3FB2]  }
0x2a: {  	p0 =	seq.s32 s5, $0x0;
	s5 =	sld [smem:$0x3FB3]  }
0x2b: {  	s6 =	sld [smem:$0x3FB4]  }
0x2c: {  	s7 =	sld [smem:$0x3FB5]  }
0x2d: {  	s3 =	simm.s32 $0x108;
	s8 =	sld [smem:$0x3FB6]  }
0x2e: {  	s3 =	simm.s32 @!p0 $0x1082;
	s9 =	sld [smem:$0x3FB7]  }
0x2f: {  	lr =	sadd.s32 s0, s3;
	s0 =	sld [smem:$0x3FAE]  }
0x30: {  	s3 =	sld [smem:$0x3FB1]  }
0x31: {  	[smem:$0x3FBA] =	sst s10  }
0x32: {  	s10 =	sld [smem:$0x3FB8];
	_ =	sdelay $0x3  }
0x33: {  	p0 =	seq.s32 s10, $0x1;
	s10 =	sld [smem:$0x3FBA];
	_ =	sdelay $0x3  }
0x34: {  	[smem:$0x3FBA] =	sst s10  }
0x35: {  	s10 =	sld [smem:$0x3FB9];
	_ =	sdelay $0x3  }
0x36: {  	p1 =	seq.s32 s10, $0x1;
	s10 =	sld [smem:$0x3FBA];
	_ =	sdelay $0x3  }
0x37: {  	[smem:$0x3FBA] =	sst s10  }
0x38: {  	s10 =	sld [smem:$0x3FBB]  }
0x39: {  	_ = 	snop;
	(pc) =	sbr.ind lr, $3  }
0x3a: {  	_ = 	snop  }
0x3b: {  	_ = 	snop  }
0x3c: {  	p2 =	seq.s32 s10, $0x1;
	s10 =	sld [smem:$0x3FBA]  }
0x3d: {  	_ =	shalt  }
0x3e: {  	_ =	shalt  }
0x3f: {  	_ =	shalt  }
0x40: {  	_ =	shalt  }
0x41: {  	_ =	shalt  }
0x42: {  	_ =	shalt  }
0x43: {  	_ =	shalt  }
0x44: {  	_ =	shalt  }
0x45: {  	_ =	shalt  }
0x46: {  	_ =	shalt  }
0x47: {  	_ =	shalt  }
0x48: {  	_ =	shalt  }
0x49: {  	_ =	shalt  }
0x4a: {  	_ =	shalt  }
0x4b: {  	_ =	shalt  }
0x4c: {  	_ =	shalt  }
0x4d: {  	_ =	shalt  }
0x4e: {  	_ =	shalt  }
0x4f: {  	_ =	shalt  }
0x50: {  	_ =	shalt  }
0x51: {  	_ =	shalt  }
0x52: {  	_ =	shalt  }
0x53: {  	_ =	shalt  }
0x54: {  	_ =	shalt  }
0x55: {  	_ =	shalt  }
0x56: {  	_ =	shalt  }
0x57: {  	_ =	shalt  }
0x58: {  	_ =	shalt  }
0x59: {  	_ =	shalt  }
0x5a: {  	_ =	shalt  }
0x5b: {  	_ =	shalt  }
0x5c: {  	_ =	shalt  }
0x5d: {  	_ =	shalt  }
0x5e: {  	_ =	shalt  }
0x5f: {  	_ =	shalt  }
0x60: {  	_ =	shalt  }
0x61: {  	_ =	shalt  }
0x62: {  	_ =	shalt  }
0x63: {  	_ =	shalt  }
0x64: {  	_ =	shalt  }
0x65: {  	_ =	shalt  }
0x66: {  	_ =	shalt  }
0x67: {  	_ =	shalt  }
0x68: {  	_ =	shalt  }
0x69: {  	_ =	shalt  }
0x6a: {  	_ =	shalt  }
0x6b: {  	_ =	shalt  }
0x6c: {  	_ =	shalt  }
0x6d: {  	_ =	shalt  }
0x6e: {  	_ =	shalt  }
0x6f: {  	_ =	shalt  }
0x70: {  	_ =	shalt  }
0x71: {  	_ =	shalt  }
0x72: {  	_ =	shalt  }
0x73: {  	_ =	shalt  }
0x74: {  	_ =	shalt  }
0x75: {  	_ =	shalt  }
0x76: {  	_ =	shalt  }
0x77: {  	_ =	shalt  }
0x78: {  	_ =	shalt  }
0x79: {  	_ =	shalt  }
0x7a: {  	_ =	shalt  }
0x7b: {  	_ =	shalt  }
0x7c: {  	_ =	shalt  }
0x7d: {  	_ =	shalt  }
0x7e: {  	_ =	shalt  }
0x7f: {  	_ =	shalt  }
0x80: {  	_ =	shalt  }
0x81: {  	_ =	shalt  }
0x82: {  	_ =	shalt  }
0x83: {  	_ =	shalt  }
0x84: {  	_ =	shalt  }
0x85: {  	_ =	shalt  }
0x86: {  	_ =	shalt  }
0x87: {  	_ =	shalt  }
.Lfunc_end0:
.L_simem_size_0:
called_computation_lowered:
.L_overlay_start_0:
0x88: {  	s2 =	sld [smem:$0x3FD9]  }
0x89: {  	s3 =	sld [smem:$0x3FFE];
	_ =	sdelay $0x1  }
0x8a: {  	s1 =	srdreg.scid  }
0x8b: {  	s0 =	sand.u32 $0x1, s1  }
0x8c: {  	s14 =	sshll.u32 s0, $0xA;
	s2 =	sadd.s32 s3, s2  }
0x8d: {  	s3 =	sadd.s32 s2, s14  }
0x8e: {  	[smem:$0x3FC6] =	sst s3  }
0x8f: {  	_ = 	snop  }
0x90: {  	s3 =	sld [smem:$0x3FD0];
	_ =	sdelay $0x2  }
0x91: {  	s5 =	simm.s32 $0xA;
	s6 =	simm.s32 $0x10;
	s4 =	sld [smem:$0x3FC8]  }
0x92: {  	[smem:s6], [sflag:s5] =	dma.local [hbm:s3], $0x1  }
0x93: {  	_ =	swait.eq [sflag:s5], $0x1  }
0x94: {  	[sflag:s5] =	ssyncset.done $0x0  }
0x95: {  	[sflag:s5] =	ssyncadd.s32 $0xFFFFFFFF  }
0x96: {  	s15 =	sld [smem:$0x10];
	(tm) =	ssettm $0x1  }
0x97: {  	s16 =	sld [smem:$0x3FFB];
	_ =	sdelay $0x3  }
0x98: {  	_ =	strace s16  }
0x99: {  	s5 =	sld [smem:$0x3FFC];
	_ =	sdelay $0x3  }
0x9a: {  	_ =	strace s5  }
0x9b: {  	s5 =	sld [smem:$0x3FFD];
	_ =	sdelay $0x3  }
0x9c: {  	_ =	strace s5  }
0x9d: {  	_ =	strace $0x8FFFFFFF  }
0x9e: {  	s17 =	sld [smem:$0x3FDB];
	_ =	sdelay $0x1  }
0x9f: {  	s18 =	simm.s32 $_scs_section_size  }
0xa0: {  	s7 =	simm.s32 $_size__tile_overlayer_lowered;
	s8 =	simm.s32 $_tile_overlayer_lowered  }
0xa1: {  	s21 =	simm.s32 $0x1BFF;
	s20 =	sshll.u32 s8, $0x1;
	s5 =	sadd.s32 s18, s17  }
0xa2: {  	s9 =	simm.s32 $0x0;
	s19 =	sshll.u32 s7, $0x1;
	s7 =	sadd.s32 s20, s5  }
0xa3: {  	[timem:s9], [sflag:s21] =	dma.local [hbm:s7], s19  }
0xa4: {  	_ =	swait.ge [sflag:s21], s19  }
0xa5: {  	s6 =	ssub.s32 $0x0, s19;
	[sflag:s21] =	ssyncset.done $0x0  }
0xa6: {  	[sflag:s21] =	ssyncadd.s32 s6;
	_ =	sdelay $0x1  }
0xa7: {  	s22 =	simm.s32 $0x1B8B  }
0xa8: {  	_ =	swait.ge [sflag:s22], $0x1  }
0xa9: {  	[sflag:s22] =	ssyncset.done $0x0  }
0xaa: {  	s24 =	simm.s32 $0x1B8E;
	s23 =	sld [smem:$0x3FFE];
	[sflag:s22] =	ssyncadd.s32 $0xFFFFFFFF  }
0xab: {  	s25 =	simm.s32 $execute0_lowered;
	[smem:$0x3FD2] =	sst s24  }
0xac: {  	s7 =	sshll.u32 s25, $0x1;
	_ =	strace $0x80000046;
	[dreg:$0x1] =	wrdreg $0xFFFFFFFF  }
0xad: {  	s26 =	simm.s32 $_size_execute0_lowered;
	s5 =	sadd.s32 s5, s7;
	[dreg:$0x0] =	wrdreg $0x0  }
0xae: {  	s7 =	sshll.u32 s26, $0x1;
	[dreg:$0x2] =	wrdreg s5  }
0xaf: {  	[dreg:$0x3] =	wrdreg s7  }
0xb0: {  	[dreg:$0x4] =	wrdreg $0xC0  }
0xb1: {  	_ =	task [dreg:s9], $0x5FFFF  }
0xb2: {  	[dreg:$0x1] =	wrdreg $0xFFFFFFFF  }
0xb3: {  	[dreg:$0x0] =	wrdreg $0x60  }
0xb4: {  	[dreg:$0x2] =	wrdreg s23  }
0xb5: {  	[dreg:$0x3] =	wrdreg s4  }
0xb6: {  	s28 =	sadd.s32 $0x800, s2;
	[dreg:$0x4] =	wrdreg s15  }
0xb7: {  	s2 =	sadd.s32 $0xC00, s2;
	[dreg:$0x5] =	wrdreg s28  }
0xb8: {  	[dreg:$0x6] =	wrdreg s2  }
0xb9: {  	[dreg:$0x7] =	wrdreg $0x9  }
0xba: {  	_ =	task.clear_ibuf [dreg:s9], $0x8FFFF;
	_ =	strace $0x90000046  }
0xbb: {  	s29 =	simm.s32 $0x9;
	_ =	strace $0x80000048  }
0xbc: {  	_ =	swait.ge [sflag:s29], $0x1  }
0xbd: {  	[sflag:s29] =	ssyncadd.s32 $0xFFFFFFFF  }
0xbe: {  	_ =	strace $0x90000048  }
0xbf: {  	_ =	sfence  }
0xc0: {  	s30 =	sld [smem:$0x0];
	_ =	sdelay $0x2  }
0xc1: {  	s31 =	sshll.u32 s1, $0xD;
	s1 =	sshrl.u32 s1, $0x2  }
0xc2: {  	s3 =	sand.u32 $0x4000, s31;
	s1 =	sadd.s32 s1, s30  }
0xc3: {  	s0 =	sor.u32 s3, s0;
	s1 =	sshll.u32 s1, $0x11  }
0xc4: {  	s0 =	sor.u32 s1, s0  }
0xc5: {  	s0 =	sadd.s32 $0x8F2B, s0  }
0xc6: {  	[sflag:s0] =	ssyncadd.remote.s32 $0x1  }
0xc7: {  	_ =	sfence.sel $0xFFFF  }
0xc8: {  	[dreg:$0x0] =	wrdreg $0xFFFFFFFF;
	(pc) =	sbr.abs _section_cstart, $3  }
0xc9: {  	[dreg:$0x1] =	wrdreg $0xFFFFFFFF  }
0xca: {  	_ =	task.clear_ibuf [dreg:s9], $0x2FFFF;
	_ =	strace $0x9FFFFFFF  }
0xcb: {  	(tm) =	ssettm $0x7FFFFFFF  }
tec
execute0_lowered:
.L_overlay_start_1:
0x0: {  	(tag) =	ssettag $0x1  }
0x1: {  	s7 =	rddreg [dreg:$0x0]  }
0x2: {  	s2 =	stileid.u32;
	v0 =	vlaneseq.u32;
	v2 =	vimm.f32 $-Inf;
	s8 =	rddreg [dreg:$0x1]  }
0x3: {  	s0 =	srdreg.scid;
	vm4 =	vmmov $0x1;
	vm6 =	vcmask $0x70C;
	s9 =	rddreg [dreg:$0x2];
	vm7 =	vcmask $0x3F10  }
0x4: {  	vm8 =	vcmask $0x3F0C;
	vm9 =	vcmask $0x3F08;
	v3 =	vimm.s32 $0x380;
	s22 =	rddreg [dreg:$0x4];
	s16 =	simm.s32 $0xC400;
	s17 =	simm.s32 $0x1  }
0x5: {  	vm10 =	vcmask $0x300;
	v4 =	vimm.s32 $0x381;
	v5 =	vimm.s32 $0x382;
	s18 =	simm.s32 $0x80;
	s19 =	simm.s32 $0x400;
	s20 =	simm.s32 $0x3100  }
0x6: {  	v6 =	vimm.s32 $0x383;
	v7 =	vimm.s32 $0x384;
	s21 =	simm.s32 $0x6200;
	s24 =	simm.s32 $0x11400;
	s28 =	simm.s32 $0x0;
	v1 =	vmul.u32 $0xFFFFFFFF, v0  }
0x7: {  	s4 =	sand.u32 $0x7, s2;
	s0 =	sand.u32 $0x1, s0;
	s3 =	sshrl.u32 s2, $0x3;
	v3 =	vsel vm10, $0x0, v3;
	v4 =	vsel vm10, $0x1, v4;
	v5 =	vsel vm10, $0x2, v5  }
0x8: {  	s2 =	rddreg [dreg:$0x3];
	v6 =	vsel vm10, $0x3, v6;
	v7 =	vsel vm10, $0x4, v7;
	vm10 =	vcmask $0x704;
	s1 =	smul.u32 $0x30D4, s4;
	p0 =	sne.s32 s4, $0x0  }
0x9: {  	s5 =	sshll.u32 s0, $0x1;
	s6 =	sshll.u32 s4, $0x7;
	s12 =	ssub.s32 $0x2, s0;
	v3 =	vsel vm10, $0x80, v3;
	v4 =	vsel vm10, $0x81, v4;
	v5 =	vsel vm10, $0x82, v5  }
0xa: {  	v6 =	vsel vm10, $0x83, v6;
	v7 =	vsel vm10, $0x84, v7;
	vm10 =	vcmask $0xB08;
	s4 =	sshll.u32 s4, $0x9;
	s29 =	sshll.u32 s0, $0x5;
	s30 =	sshll.u32 s3, $0x4  }
0xb: {  	s0 =	sshll.u32 s0, $0xC;
	v1 =	vadd.s32 $0x30D4, v1;
	vm0 =	vmmov @!p0 $0x1;
	s10 =	sor.u32 s3, s5;
	s5 =	simm.s32 $0x0;
	v3 =	vsel vm10, $0x100, v3  }
0xc: {  	s14 =	sshrl.u32 s12, $0x1;
	v4 =	vsel vm10, $0x101, v4;
	v5 =	vsel vm10, $0x102, v5;
	s8 =	sadd.s32 s8, s4;
	s4 =	sadd.s32 s9, s4;
	v6 =	vsel vm10, $0x103, v6  }
0xd: {  	v7 =	vsel vm10, $0x104, v7;
	vm10 =	vcmask $0xF0C;
	s3 =	sshll.u32 s3, $0xB;
	v0 =	vadd.s32 s1, v0;
	s11 =	smul.u32 $0x18800, s10;
	[smem:$0x7FF] =	sst s5  }
0xe: {  	s13 =	sshll.u32 s10, $0xB;
	s14 =	ssub.s32 s12, s14;
	s25 =	sshll.u32 s10, $0xC;
	v3 =	vsel vm10, $0x180, v3;
	v4 =	vsel vm10, $0x181, v4;
	v5 =	vsel vm10, $0x182, v5  }
0xf: {  	v6 =	vsel vm10, $0x183, v6;
	v7 =	vsel vm10, $0x184, v7;
	vm10 =	vcmask $0x1310;
	s12 =	sor.u32 s29, s30;
	_ =	strace $0x80000047;
	[dreg:$0x6] =	wrdreg s8  }
0x10: {  	s4 =	sadd.s32 s25, s4;
	v3 =	vsel vm10, $0x200, v3;
	v4 =	vsel vm10, $0x201, v4;
	v5 =	vsel vm10, $0x202, v5;
	s15 =	smax.u32 s14, $0x1;
	s11 =	sor.u32 s6, s11  }
.Ltmp0:
0x11: {  	v6 =	vsel vm10, $0x203, v6;
	v7 =	vsel vm10, $0x204, v7;
	vm10 =	vcmask $0x1714;
	s22 =	sadd.s32 @!p0 s22, s12;
	s11 =	sshrl.u32 s11, $0x3;
	(pc) =	sbr.rel .LBB2_1-.Ltmp0, $4  }
0x12: {  	s25 =	simm.s32 $0x11500;
	[dreg:$0x7] =	wrdreg s4;
	v3 =	vsel vm10, $0x280, v3;
	v4 =	vsel vm10, $0x281, v4;
	v5 =	vsel vm10, $0x282, v5;
	s11 =	sadd.s32 s11, s7  }
0x13: {  	v6 =	vsel vm10, $0x283, v6;
	v7 =	vsel vm10, $0x284, v7;
	vm10 =	vcmask $0x1B18;
	s7 =	sadd.s32 s13, s7;
	s13 =	sor.u32 s0, s3;
	s26 =	sadd.s32 $0x19200, s11  }
0x14: {  	v3 =	vsel vm10, $0x300, v3;
	v4 =	vsel vm10, $0x301, v4;
	v5 =	vsel vm10, $0x302, v5;
	s10 =	sadd.s32 $0xCE00, s11;
	s31 =	sadd.s32 $0x25600, s7;
	[dreg:$0x8] =	wrdreg s26  }
0x15: {  	v6 =	vsel vm10, $0x303, v6;
	v7 =	vsel vm10, $0x304, v7;
	vm10 =	vcmask $0x3F04;
	s11 =	sadd.s32 $0xA00, s11;
	[dreg:$0x9] =	wrdreg s31;
	s26 =	simm.s32 $0xD400  }
.LBB2_8:
0x16: {  	s0 =	rddreg [dreg:$0x9]  }
0x17: {  	[hbm4b:s0+s5] =	stream.linear.scatter [tilespmem:s26], [sflag:$0x1], $0x4000, $0x38;
	[tilespmem:$0x11900] =	vst v63  }
0x18: {  	_ =	swait.ge [sflag:s17], $0x4000  }
0x19: {  	[sflag:s17] =	ssyncset.done $0x0  }
0x1a: {  	[sflag:s17] =	ssyncadd.s32 $0xFFFFC000  }
.LBB2_9:
0x1b: {  	s28 =	sadd.s32 $0x1, s28  }
0x1c: {  	p1 =	sne.s32 s28, s15  }
.Ltmp1:
0x1d: {  	_ = 	snop;
	(pc) =	sbr.rel @!p1 .LBB2_10-.Ltmp1, $1  }
0x1e: {  	_ =	sdelay $0x3  }
.LBB2_1:
0x1f: {  	s0 =	rddreg [dreg:$0x6]  }
0x20: {  	[tilespmem:s16], [sflag:$0x1] =	stream.linear.gather [hbm4b:s0+s5], $0x1000, $0x38;
	[tilespmem:$0x11900] =	vst v63  }
0x21: {  	_ =	swait.ge [sflag:s17], $0x1000  }
0x22: {  	[sflag:s17] =	ssyncset.done $0x0  }
0x23: {  	s30 =	rddreg [dreg:$0x7];
	[sflag:s17] =	ssyncadd.s32 $0xFFFFF000  }
0x24: {  	[hbm4b:s30+s5] =	stream.linear.scatter [tilespmem:s16], [sflag:$0x1], $0x1000, $0x38;
	[tilespmem:$0x11900] =	vst v63  }
0x25: {  	_ =	swait.ge [sflag:s17], $0x1000  }
0x26: {  	[sflag:s17] =	ssyncset.done $0x0  }
0x27: {  	s31 =	rddreg [dreg:$0x8];
	[sflag:s17] =	ssyncadd.s32 $0xFFFFF000  }
0x28: {  	[tilespmem:s5], [sflag:$0x1] =	stream.strided.gather [hbm4b:s31+s18], $0x3100, s19, s18, $0x38;
	[tilespmem:$0x11900] =	vst v63  }
0x29: {  	_ =	swait.ge [sflag:s17], $0x3100  }
0x2a: {  	[sflag:s17] =	ssyncset.done $0x0  }
0x2b: {  	[sflag:s17] =	ssyncadd.s32 $0xFFFFCF00  }
0x2c: {  	[tilespmem:s20], [sflag:$0x1] =	stream.strided.gather [hbm4b:s10+s18], $0x3100, s19, s18, $0x38;
	[tilespmem:$0x11900] =	vst v63  }
0x2d: {  	_ =	swait.ge [sflag:s17], $0x3100  }
0x2e: {  	[sflag:s17] =	ssyncset.done $0x0  }
0x2f: {  	[sflag:s17] =	ssyncadd.s32 $0xFFFFCF00  }
0x30: {  	[tilespmem:s21], [sflag:$0x1] =	stream.strided.gather [hbm4b:s11+s18], $0x3100, s19, s18, $0x38;
	[tilespmem:$0x11900] =	vst v63  }
0x31: {  	v8 =	vmov s5;
	_ =	swait.ge [sflag:s17], $0x3100  }
0x32: {  	vm11 =	vlt.u32 v8, v1;
	[sflag:s17] =	ssyncset.done $0x0  }
0x33: {  	s0 =	simm.s32 $0x9300;
	v8 =	vsel vm11, $0x7F800000, v2;
	[sflag:s17] =	ssyncadd.s32 $0xFFFFCF00  }
0x34: {  	s3 =	simm.s32 $0x10;
	[tilespmem:s0+$0x0] =	vst v8  }
.LBB2_2:
0x35: {  	p1 =	sne.s32 s3, $0x30F0  }
.Ltmp2:
0x36: {  	_ = 	snop;
	(pc) =	sbr.rel @p1 .LBB2_2-.Ltmp2, $4  }
0x37: {  	v8 =	vmov s3  }
0x38: {  	vm11 =	vlt.u32 v8, v1  }
0x39: {  	s0 =	sadd.s32 $0x10, s0;
	v8 =	vsel vm11, $0x7F800000, v2  }
0x3a: {  	s3 =	sadd.s32 $0x10, s3;
	[tilespmem:s0+$0x0] =	vst v8  }
0x3b: {  	v8 =	vld @!p0 [tilespmem:$0x0]  }
0x3c: {  	v9 =	vld @!p0 [tilespmem:$0x3100]  }
0x3d: {  	v10 =	vld @!p0 [tilespmem:$0x6200];
	_ =	sdelay $0x2  }
0x3e: {  	v8 =	vnsel @!p0 vm0, $0xFF800000, v8  }
0x3f: {  	(xrf0) =	vmax.scan.msk.f32 @!p0 $0xffff, v8;
	v8 =	vnsel @!p0 vm0, $0xFF800000, v9  }
0x40: {  	(xrf0) =	vmax.scan.msk.f32 @!p0 $0xffff, v8;
	v8 =	vnsel @!p0 vm0, $0xFF800000, v10  }
0x41: {  	(xrf0) =	vmax.scan.msk.f32 @!p0 $0xffff, v8;
	_ =	sdelay $0x3  }
0x42: {  	v9 =	vimm.s32 @!p0 $0x0;
	v8, _, _ =	vpop @!p0 (xrf0)  }
0x43: {  	v11 =	vimm.s32 @!p0 $0x1;
	v10, _, _ =	vpop @!p0 (xrf0)  }
0x44: {  	v13 =	vimm.s32 @!p0 $0x2;
	v12, _, _ =	vpop @!p0 (xrf0)  }
0x45: {  	v8 =	vbroadcast @!p0 v8, $0xF;
	v12 =	vbroadcast @!p0 v12, $0xF  }
0x46: {  	s0 =	simm.s32 @!p0 $0xD400;
	vm1 =	vcmask @!p0 $0xB08;
	v10 =	vbroadcast @!p0 v10, $0xF  }
0x47: {  	[tilespmem:v9+s0+$0x0] =	vst.idx.msk @!p0 $0x1, v8;
	v9 =	vnsel @!p0 vm1, $0x0, v12;
	vm1 =	vcmask @!p0 $0x3F08  }
0x48: {  	[tilespmem:v11+s0+$0x0] =	vst.idx.msk @!p0 $0x1, v10;
	v9 =	vsel @!p0 vm1, v9, v10;
	vm1 =	vcmask @!p0 $0x3F04  }
0x49: {  	[tilespmem:v13+s0+$0x0] =	vst.idx.msk @!p0 $0x1, v12;
	v8 =	vsel @!p0 vm1, v9, v8  }
0x4a: {  	s3 =	simm.s32 @!p0 $0x11400;
	s0 =	simm.s32 @!p0 $0x0;
	[tilespmem:$0x11400] =	vst @!p0 v8  }
0x4b: {  	[hbm4b:s22+s0] =	stream.linear.scatter @!p0 [tilespmem:s3], [sflag:$0x1], $0x80, $0x38;
	[tilespmem:$0x11900] =	vst v63  }
0x4c: {  	s0 =	simm.s32 @!p0 $0x1  }
0x4d: {  	_ =	swait.ge @!p0 [sflag:s0], $0x80  }
0x4e: {  	[sflag:s0] =	ssyncset.done @!p0 $0x0  }
0x4f: {  	[sflag:s0] =	ssyncadd.s32 @!p0 $0xFFFFFF80  }
0x50: {  	[bflag:$0x0] =	sbarrier.arrive $0xFFFF  }
0x51: {  	s30 =	rddreg [dreg:$0x4]  }
0x52: {  	s31 =	simm.s32 $0x11480;
	s29 =	simm.s32 $0x1;
	s0 =	sadd.s32 s30, s12  }
0x53: {  	[tilespmem:s31], [sflag:$0x1] =	stream.linear.gather [hbm4b:s0+s5], $0x80, $0x38;
	[tilespmem:$0x11900] =	vst v63  }
0x54: {  	_ =	swait.ge [sflag:s29], $0x80  }
0x55: {  	[sflag:s29] =	ssyncset.done $0x0  }
0x56: {  	[sflag:s29] =	ssyncadd.s32 $0xFFFFFF80  }
0x57: {  	v8 =	vld [tilespmem:$0x11480];
	_ =	sdelay $0x4  }
0x58: {  	vm1 =	vcmask $0x308;
	v9 =	vnsel vm4, $0xFF800000, v8  }
0x59: {  	(xrf0) =	vmax.scan.msk.f32 $0xffff, v9;
	v9 =	vsel vm1, $0xFF800000, v8  }
0x5a: {  	v8 =	vsel vm6, $0xFF800000, v8;
	(xrf0) =	vmax.scan.msk.f32 $0xffff, v9  }
0x5b: {  	(xrf0) =	vmax.scan.msk.f32 $0xffff, v8;
	_ =	sdelay $0x2  }
.Ltmp3:
0x5c: {  	_ = 	snop;
	(pc) =	sbr.rel .LBB2_4-.Ltmp3, $4  }
0x5d: {  	v8, _, _ =	vpop (xrf0)  }
0x5e: {  	v9, _, _ =	vpop (xrf0)  }
0x5f: {  	v8 =	vbroadcast v8, $0xF;
	v10, _, _ =	vpop (xrf0)  }
0x60: {  	v11 =	vbroadcast v9, $0xF;
	v9 =	vbroadcast v10, $0xF  }
.LBB2_7:
0x61: {  	s0 =	sshll.u32 s29, $0x7  }
0x62: {  	v10 =	vmov s0  }
0x63: {  	s29 =	sadd.s32 $0x1, s29;
	v12 =	vor.u32 $0x1, v10  }
0x64: {  	p1 =	seq.s32 s29, $0x80;
	v13 =	vor.u32 $0x2, v10  }
.Ltmp4:
0x65: {  	_ = 	snop;
	(pc) =	sbr.rel @p1 .LBB2_8-.Ltmp4, $4  }
0x66: {  	_ = 	snop  }
0x67: {  	[tilespmem:v10+s26+$0x0] =	vst.idx.msk $0x1, v8  }
0x68: {  	[tilespmem:v12+s26+$0x0] =	vst.idx.msk $0x1, v11  }
0x69: {  	[tilespmem:v13+s26+$0x0] =	vst.idx.msk $0x1, v9  }
.LBB2_4:
0x6a: {  	s31 =	simm.s32 $0x3180  }
0x6b: {  	s3 =	simm.s32 $0x6280;
	v12 =	vld [tilespmem:s31+$0x70]  }
0x6c: {  	v13 =	vld [tilespmem:s3+$0x50]  }
0x6d: {  	v14 =	vld [tilespmem:s31+$0x50]  }
0x6e: {  	v15 =	vld [tilespmem:s31+$0x10]  }
0x6f: {  	v16 =	vld [tilespmem:s3+$0xFFFFFFF0]  }
0x70: {  	s0 =	simm.s32 $0x80;
	v17 =	vld [tilespmem:s31+$0xFFFFFFF0]  }
0x71: {  	v18 =	vld [tilespmem:s0+$0xFFFFFFF0]  }
0x72: {  	v19 =	vld [tilespmem:s31+$0xFFFFFFD0]  }
0x73: {  	v20 =	vld [tilespmem:s31+$0xFFFFFFC0]  }
0x74: {  	v21 =	vld [tilespmem:s0+$0xFFFFFFC0]  }
0x75: {  	v22 =	vld [tilespmem:s31+$0xFFFFFFB0]  }
0x76: {  	v23 =	vld [tilespmem:s31+$0xFFFFFFA0]  }
0x77: {  	v24 =	vld [tilespmem:s31+$0xFFFFFF90];
	v12 =	vsub.f32 v12, v11  }
0x78: {  	v25 =	vld [tilespmem:s0+$0xFFFFFF80];
	v13 =	vsub.f32 v13, v9;
	v14 =	vsub.f32 v14, v11  }
0x79: {  	v27 =	vld [tilespmem:s31+$0xFFFFFF80];
	v15 =	vsub.f32 v15, v11;
	v17 =	vsub.f32 v17, v11  }
0x7a: {  	v31 =	vld [tilespmem:s3+$0xFFFFFF90];
	v18 =	vsub.f32 v18, v8;
	v16 =	vsub.f32 v16, v9  }
0x7b: {  	v32 =	vld [tilespmem:s0+$0xFFFFFFA0];
	v20 =	vsub.f32 v20, v11;
	v21 =	vsub.f32 v21, v8  }
0x7c: {  	v26 =	vimm.f32 $-Inf;
	v30 =	vld [tilespmem:s3+$0xFFFFFF80];
	v19 =	vsub.f32 v19, v11;
	v22 =	vsub.f32 v22, v11  }
0x7d: {  	v28 =	vimm.s32 $0x0;
	v33 =	vld [tilespmem:s0+$0xFFFFFFB0];
	v23 =	vsub.f32 v23, v11;
	v24 =	vsub.f32 v24, v11  }
0x7e: {  	v29 =	vld [tilespmem:s0+$0xFFFFFF90];
	v25 =	vsub.f32 v25, v8;
	v27 =	vsub.f32 v27, v11;
	v14 =	vmul.f32 v14, v14  }
0x7f: {  	s30 =	simm.s32 $0x9380;
	v34 =	vld [tilespmem:s3+$0xFFFFFFB0];
	v31 =	vsub.f32 v31, v9;
	v17 =	vmul.f32 v17, v17;
	v20 =	vmul.f32 v20, v20  }
0x80: {  	v35 =	vld [tilespmem:s30+$0xFFFFFF80];
	v32 =	vsub.f32 v32, v8;
	v21 =	vmul.f32 v21, v21;
	v18 =	vmul.f32 v18, v18  }
0x81: {  	v36 =	vld [tilespmem:s30+$0xFFFFFF90];
	v30 =	vsub.f32 v30, v9;
	v16 =	vmul.f32 v16, v16;
	v24 =	vmul.f32 v24, v24  }
0x82: {  	v51 =	vld [tilespmem:s0+$0xFFFFFFD0];
	v33 =	vsub.f32 v33, v8;
	v25 =	vmul.f32 v25, v25;
	v27 =	vmul.f32 v27, v27  }
0x83: {  	v52 =	vld [tilespmem:s0+$0xFFFFFFE0];
	v23 =	vmul.f32 v23, v23;
	v20 =	vadd.f32 v20, v21;
	v21 =	vsub.f32 v29, v8  }
0x84: {  	v22 =	vmul.f32 v22, v22;
	v30 =	vmul.f32 v30, v30;
	v29 =	vld [tilespmem:s3+$0xFFFFFFA0];
	v25 =	vadd.f32 v27, v25  }
0x85: {  	v53 =	vld [tilespmem:s0+$0x0];
	v19 =	vmul.f32 v19, v19;
	v17 =	vadd.f32 v17, v18;
	v21 =	vmul.f32 v21, v21  }
0x86: {  	v54 =	vld [tilespmem:s30+$0xFFFFFFD0];
	v15 =	vmul.f32 v15, v15;
	v18 =	vadd.f32 v30, v25;
	v25 =	vmul.f32 v33, v33  }
0x87: {  	v16 =	vadd.f32 v16, v17;
	v21 =	vadd.f32 v24, v21;
	v24 =	vmul.f32 v31, v31;
	v31 =	vld [tilespmem:s3+$0xFFFFFFC0]  }
0x88: {  	v56 =	vld [tilespmem:s30+$0xFFFFFFF0];
	v33 =	vsub.f32 v52, v8;
	v17 =	vmin.f32 v35, v18;
	v22 =	vadd.f32 v22, v25  }
0x89: {  	v57 =	vld [tilespmem:s31+$0x40];
	v25 =	vsub.f32 v34, v9;
	v27 =	vsub.f32 v29, v9;
	v29 =	vmul.f32 v32, v32  }
0x8a: {  	v33 =	vmul.f32 v33, v33;
	vm11 =	vgt.f32 v17, v26;
	v21 =	vadd.f32 v24, v21;
	v24 =	vld [tilespmem:s30+$0xFFFFFFA0]  }
0x8b: {  	s14 =	simm.s32 $0x0;
	v30 =	vld [tilespmem:s31+$0xFFFFFFE0];
	v32 =	vsub.f32 v51, v8;
	v23 =	vadd.f32 v23, v29;
	v27 =	vmul.f32 v27, v27  }
0x8c: {  	v28 =	vsel vm11, s14, v28;
	v25 =	vmul.f32 v25, v25;
	v29 =	vld [tilespmem:s3+$0xFFFFFFD0];
	v31 =	vsub.f32 v31, v9  }
0x8d: {  	v26 =	vsel vm11, v17, v26;
	v32 =	vmul.f32 v32, v32;
	v18 =	vadd.f32 v27, v23;
	v23 =	vld [tilespmem:s30+$0xFFFFFFC0]  }
0x8e: {  	v21 =	vmin.f32 v36, v21;
	v22 =	vadd.f32 v25, v22;
	v27 =	vmul.f32 v31, v31;
	v31 =	vld [tilespmem:s3+$0xFFFFFFE0]  }
0x8f: {  	s4 =	simm.s32 $0x1;
	v36 =	vmin.f32 v56, v16;
	vm11 =	vgt.f32 v21, v26;
	v18 =	vmin.f32 v24, v18;
	v24 =	vld [tilespmem:s30+$0xFFFFFFB0]  }
0x90: {  	v37 =	vld [tilespmem:s3+$0x20];
	v16 =	vsub.f32 v57, v11;
	v26 =	vsel vm11, v21, v26;
	v28 =	vsel vm11, s4, v28  }
0x91: {  	s7 =	simm.s32 $0x2;
	vm12 =	vgt.f32 v18, v26;
	v20 =	vadd.f32 v27, v20;
	v27 =	vsub.f32 v29, v9;
	v29 =	vld [tilespmem:s31+$0x0]  }
0x92: {  	v38 =	vld [tilespmem:s0+$0x30];
	v19 =	vadd.f32 v19, v32;
	v26 =	vsel vm12, v18, v26;
	v28 =	vsel vm12, s7, v28  }
0x93: {  	v20 =	vmin.f32 v23, v20;
	v23 =	vld [tilespmem:s0+$0x10];
	v25 =	vmul.f32 v27, v27;
	v27 =	vsub.f32 v30, v11  }
0x94: {  	v30 =	vld [tilespmem:s3+$0x0];
	v31 =	vsub.f32 v31, v9;
	v22 =	vmin.f32 v24, v22;
	v24 =	vsub.f32 v53, v8  }
0x95: {  	v10 =	vld [tilespmem:s30+$0x50];
	v27 =	vmul.f32 v27, v27;
	v19 =	vadd.f32 v25, v19;
	vm11 =	vgt.f32 v22, v26  }
0x96: {  	s8 =	simm.s32 $0x3;
	v29 =	vsub.f32 v29, v11;
	v25 =	vmul.f32 v31, v31;
	v31 =	vld [tilespmem:s3+$0x10];
	v26 =	vsel vm11, v22, v26  }
0x97: {  	v55 =	vld [tilespmem:s30+$0xFFFFFFE0];
	[tilespmem:s30+$0xFFFFFF80] =	vst v17;
	v28 =	vsel vm11, s8, v28;
	v17 =	vmul.f32 v24, v24;
	v24 =	vsub.f32 v37, v9  }
0x98: {  	v58 =	vld [tilespmem:s0+$0x40];
	[tilespmem:s30+$0xFFFFFFB0] =	vst v22;
	v22 =	vsub.f32 v38, v8;
	v27 =	vadd.f32 v27, v33;
	v19 =	vmin.f32 v54, v19  }
0x99: {  	s9 =	simm.s32 $0x4;
	v59 =	vld [tilespmem:s0+$0x20];
	vm11 =	vgt.f32 v20, v26;
	v23 =	vsub.f32 v23, v8;
	v30 =	vsub.f32 v30, v9  }
0x9a: {  	v26 =	vsel vm11, v20, v26;
	v28 =	vsel vm11, s9, v28;
	v25 =	vadd.f32 v25, v27;
	v27 =	vld [tilespmem:s31+$0x20]  }
0x9b: {  	v60 =	vld [tilespmem:s31+$0x30];
	vm13 =	vgt.f32 v19, v26;
	v23 =	vmul.f32 v23, v23;
	v31 =	vsub.f32 v31, v9  }
0x9c: {  	[tilespmem:s30+$0xFFFFFF90] =	vst v21;
	v26 =	vsel vm13, v19, v26;
	v21 =	vmul.f32 v30, v30;
	v30 =	vld [tilespmem:s3+$0x30];
	v35 =	vmin.f32 v55, v25  }
0x9d: {  	v15 =	vadd.f32 v15, v23;
	v23 =	vld [tilespmem:s30+$0x10];
	vm11 =	vgt.f32 v35, v26;
	v31 =	vmul.f32 v31, v31  }
0x9e: {  	s23 =	simm.s32 $0x5;
	[tilespmem:s30+$0xFFFFFFA0] =	vst v18;
	v29 =	vmul.f32 v29, v29;
	v24 =	vmul.f32 v24, v24;
	v18 =	vsel vm11, v35, v26;
	v26 =	vld [tilespmem:s0+$0x50]  }
0x9f: {  	[tilespmem:s30+$0xFFFFFFC0] =	vst v20;
	v20 =	vsel vm13, s23, v28;
	v25 =	vsub.f32 v27, v11;
	v15 =	vadd.f32 v31, v15;
	v31 =	vld [tilespmem:s30+$0x0]  }
0xa0: {  	v28 =	vld [tilespmem:s3+$0x70];
	vm12 =	vgt.f32 v36, v18;
	v27 =	vadd.f32 v29, v17;
	v29 =	vsub.f32 v60, v11  }
0xa1: {  	v17 =	vld [tilespmem:s30+$0x20];
	v62 =	vsel vm12, v36, v18;
	v61 =	vmul.f32 v25, v25;
	v25 =	vsub.f32 v58, v8  }
0xa2: {  	[tilespmem:s30+$0xFFFFFFF0] =	vst v36;
	v18 =	vsub.f32 v59, v8;
	v21 =	vadd.f32 v21, v27;
	v15 =	vmin.f32 v23, v15;
	v23 =	vld [tilespmem:s3+$0x40]  }
0xa3: {  	[tilespmem:s30+$0xFFFFFFD0] =	vst v19;
	v27 =	vmul.f32 v29, v29;
	v29 =	vsub.f32 v30, v9;
	v19 =	vmul.f32 v25, v25;
	v25 =	vld [tilespmem:s31+$0x60]  }
0xa4: {  	[tilespmem:s30+$0xFFFFFFE0] =	vst v35;
	v63 =	vsub.f32 v26, v8;
	v26 =	vld [tilespmem:s0+$0x60];
	v21 =	vmin.f32 v31, v21;
	v31 =	vmul.f32 v18, v18  }
0xa5: {  	s4 =	simm.s32 $0x10;
	v30 =	vmul.f32 v22, v22;
	[tilespmem:s30+$0x10] =	vst v15;
	v22 =	vmul.f32 v29, v29;
	v29 =	vld [tilespmem:s0+$0x70];
	vm13 =	vgt.f32 v21, v62  }
0xa6: {  	s7 =	simm.s32 $0x9480;
	s8 =	simm.s32 $0x6;
	s23 =	simm.s32 $0x6280;
	v18 =	vld [tilespmem:s30+$0x30];
	v32 =	vmul.f32 v63, v63;
	[tilespmem:s30+$0x0] =	vst v21;
	v21 =	vsel vm13, v21, v62;
	v31 =	vadd.f32 v61, v31  }
.LBB2_5:
0xa7: {  	s3 =	sadd.s32 $0x100, s3  }
0xa8: {  	v33 =	vld [tilespmem:s7+$0x50];
	v20 =	vsel vm11, s8, v20;
	v27 =	vadd.f32 v27, v30;
	v28 =	vsub.f32 v28, v9;
	s31 =	sadd.s32 $0x100, s31;
	s0 =	sadd.s32 $0x100, s0;
	s8 =	smov.u32 s4  }
0xa9: {  	p1 =	slt.u32 s4, $0x300;
	s4 =	sadd.s32 $0x10, s4;
	v13 =	vmul.f32 v13, v13;
	v24 =	vadd.f32 v24, v31;
	v14 =	vadd.f32 v14, v32;
	v30 =	vld [tilespmem:s23+$0x60];
	s23 =	smov.u32 s3  }
0xaa: {  	s9 =	sadd.s32 $0x7, s14;
	v23 =	vsub.f32 v23, v9;
	v25 =	vsub.f32 v25, v11;
	v32 =	vmul.f32 v12, v12;
	v31 =	vld [tilespmem:s30+$0x40]  }
0xab: {  	v16 =	vmul.f32 v16, v16;
	v20 =	vsel vm12, s9, v20;
	s9 =	sadd.s32 $0x8, s14;
	v12 =	vld [tilespmem:s31+$0x70];
	v13 =	vadd.f32 v13, v14  }
0xac: {  	v20 =	vsel vm13, s9, v20;
	v14 =	vsub.f32 v26, v8;
	v26 =	vsub.f32 v29, v8;
	v29 =	vld [tilespmem:s30+$0x70]  }
0xad: {  	v23 =	vmul.f32 v23, v23;
	v17 =	vmin.f32 v17, v24;
	v24 =	vmin.f32 v10, v13;
	v34 =	vld [tilespmem:s30+$0x60];
	v10 =	vmovc v33  }
0xae: {  	v25 =	vmul.f32 v25, v25;
	v14 =	vmul.f32 v14, v14;
	v13 =	vld [tilespmem:s3+$0x50];
	[tilespmem:s30+$0x50] =	vst v24;
	v30 =	vsub.f32 v30, v9  }
0xaf: {  	v22 =	vadd.f32 v22, v27;
	v16 =	vadd.f32 v16, v19;
	v19 =	vmul.f32 v26, v26;
	v33 =	vld [tilespmem:s31+$0x50];
	[tilespmem:s30+$0x20] =	vst v17  }
0xb0: {  	v14 =	vadd.f32 v25, v14;
	v26 =	vld [tilespmem:s31+$0x10];
	v12 =	vsub.f32 v12, v11;
	v25 =	vmul.f32 v30, v30  }
0xb1: {  	v18 =	vmin.f32 v18, v22;
	v22 =	vmul.f32 v28, v28;
	v19 =	vadd.f32 v32, v19;
	v27 =	vld [tilespmem:s3+$0xFFFFFFF0]  }
0xb2: {  	vm11 =	vgt.f32 v15, v21;
	v16 =	vadd.f32 v23, v16;
	v28 =	vld [tilespmem:s31+$0xFFFFFFF0];
	[tilespmem:s30+$0x30] =	vst v18;
	v14 =	vadd.f32 v25, v14  }
0xb3: {  	v21 =	vsel vm11, v15, v21;
	v19 =	vadd.f32 v22, v19;
	v23 =	vld [tilespmem:s0+$0xFFFFFFF0];
	v13 =	vsub.f32 v13, v9  }
0xb4: {  	vm12 =	vgt.f32 v17, v21;
	v16 =	vmin.f32 v31, v16;
	v22 =	vld [tilespmem:s31+$0xFFFFFFD0];
	v25 =	vsub.f32 v33, v11  }
0xb5: {  	s9 =	sadd.s32 $0x9, s14;
	v19 =	vmin.f32 v29, v19;
	v30 =	vld [tilespmem:s31+$0xFFFFFFC0];
	v15 =	vsub.f32 v26, v11;
	[tilespmem:s30+$0x40] =	vst v16;
	v26 =	vmin.f32 v34, v14  }
0xb6: {  	v20 =	vsel vm11, s9, v20;
	s9 =	sadd.s32 $0xA, s14;
	v17 =	vsel vm12, v17, v21;
	v29 =	vld [tilespmem:s0+$0xFFFFFFC0];
	v14 =	vmul.f32 v25, v25;
	[tilespmem:s30+$0x70] =	vst v19  }
0xb7: {  	v20 =	vsel vm12, s9, v20;
	vm13 =	vgt.f32 v18, v17;
	v21 =	vld [tilespmem:s31+$0xFFFFFFB0];
	v25 =	vsub.f32 v28, v11;
	[tilespmem:s30+$0x60] =	vst v26;
	s30 =	smov.u32 s7  }
0xb8: {  	v17 =	vsel vm13, v18, v17;
	v27 =	vsub.f32 v27, v9;
	v28 =	vld [tilespmem:s31+$0xFFFFFFA0];
	v23 =	vsub.f32 v23, v8  }
0xb9: {  	vm12 =	vgt.f32 v16, v17;
	v18 =	vld [tilespmem:s31+$0xFFFFFF90];
	v22 =	vsub.f32 v22, v11;
	v25 =	vmul.f32 v25, v25  }
0xba: {  	v16 =	vsel vm12, v16, v17;
	v31 =	vld [tilespmem:s0+$0xFFFFFF80];
	v30 =	vsub.f32 v30, v11;
	v23 =	vmul.f32 v23, v23  }
0xbb: {  	vm11 =	vgt.f32 v24, v16;
	v27 =	vmul.f32 v27, v27;
	v17 =	vld [tilespmem:s31+$0xFFFFFF80];
	v29 =	vsub.f32 v29, v8  }
0xbc: {  	v16 =	vsel vm11, v24, v16;
	v32 =	vld [tilespmem:s0+$0xFFFFFF90];
	v21 =	vsub.f32 v21, v11;
	v30 =	vmul.f32 v30, v30  }
0xbd: {  	s9 =	sadd.s32 $0xB, s14;
	vm14 =	vgt.f32 v26, v16;
	v24 =	vld [tilespmem:s3+$0xFFFFFF80];
	v28 =	vsub.f32 v28, v11;
	v29 =	vmul.f32 v29, v29  }
0xbe: {  	v20 =	vsel vm13, s9, v20;
	v16 =	vsel vm14, v26, v16;
	v18 =	vsub.f32 v18, v11;
	v33 =	vld [tilespmem:s3+$0xFFFFFF90]  }
0xbf: {  	vm13 =	vgt.f32 v19, v16;
	v26 =	vsub.f32 v31, v8;
	v31 =	vld [tilespmem:s0+$0xFFFFFFA0];
	v29 =	vadd.f32 v30, v29  }
0xc0: {  	s9 =	sadd.s32 $0xC, s14;
	v28 =	vmul.f32 v28, v28;
	v17 =	vsub.f32 v17, v11;
	v18 =	vmul.f32 v18, v18;
	v30 =	vld [tilespmem:s0+$0xFFFFFFB0]  }
0xc1: {  	v20 =	vsel vm12, s9, v20;
	v21 =	vmul.f32 v21, v21;
	v32 =	vsub.f32 v32, v8;
	v34 =	vld [tilespmem:s3+$0xFFFFFFA0]  }
0xc2: {  	s9 =	sadd.s32 $0xD, s14;
	v26 =	vmul.f32 v26, v26;
	v24 =	vsub.f32 v24, v9;
	v17 =	vmul.f32 v17, v17;
	v35 =	vld [tilespmem:s3+$0xFFFFFFB0]  }
0xc3: {  	v20 =	vsel vm11, s9, v20;
	s9 =	sadd.s32 $0xE, s14;
	v36 =	vld [tilespmem:s7+$0xFFFFFF80];
	v33 =	vsub.f32 v33, v9;
	v32 =	vmul.f32 v32, v32  }
0xc4: {  	v20 =	vsel vm14, s9, v20;
	s9 =	sadd.s32 $0xF, s14;
	s14 =	smov.u32 s8;
	v17 =	vadd.f32 v17, v26;
	v26 =	vld [tilespmem:s7+$0xFFFFFF90];
	v31 =	vsub.f32 v31, v8  }
0xc5: {  	v16 =	vsel vm13, v19, v16;
	v18 =	vadd.f32 v18, v32;
	v32 =	vmul.f32 v33, v33;
	v33 =	vld [tilespmem:s3+$0xFFFFFFC0]  }
0xc6: {  	v20 =	vsel vm13, s9, v20;
	v19 =	vsub.f32 v34, v9;
	v31 =	vmul.f32 v31, v31;
	v34 =	vld [tilespmem:s0+$0xFFFFFFD0]  }
0xc7: {  	v24 =	vmul.f32 v24, v24;
	v30 =	vsub.f32 v30, v8;
	v18 =	vadd.f32 v32, v18;
	v32 =	vld [tilespmem:s7+$0xFFFFFFA0]  }
0xc8: {  	v23 =	vadd.f32 v25, v23;
	v28 =	vadd.f32 v28, v31;
	v19 =	vmul.f32 v19, v19;
	v31 =	vld [tilespmem:s3+$0xFFFFFFD0]  }
0xc9: {  	v17 =	vadd.f32 v24, v17;
	v24 =	vmul.f32 v30, v30;
	v18 =	vmin.f32 v26, v18;
	v25 =	vld [tilespmem:s31+$0xFFFFFFE0]  }
0xca: {  	v22 =	vmul.f32 v22, v22;
	v23 =	vadd.f32 v27, v23;
	[tilespmem:s7+$0xFFFFFF90] =	vst v18;
	v26 =	vsub.f32 v33, v9;
	v30 =	vld [tilespmem:s0+$0xFFFFFFE0]  }
0xcb: {  	v17 =	vmin.f32 v36, v17;
	v21 =	vadd.f32 v21, v24;
	v19 =	vadd.f32 v19, v28;
	v24 =	vld [tilespmem:s7+$0xFFFFFFC0]  }
0xcc: {  	v27 =	vsub.f32 v35, v9;
	vm11 =	vgt.f32 v17, v16;
	[tilespmem:s7+$0xFFFFFF80] =	vst v17;
	v26 =	vmul.f32 v26, v26;
	v28 =	vld [tilespmem:s3+$0xFFFFFFE0]  }
0xcd: {  	v20 =	vsel vm11, s14, v20;
	v33 =	vsub.f32 v34, v8;
	v19 =	vmin.f32 v32, v19;
	v32 =	vld [tilespmem:s7+$0xFFFFFFB0]  }
0xce: {  	v16 =	vsel vm11, v17, v16;
	[tilespmem:s7+$0xFFFFFFA0] =	vst v19;
	v17 =	vadd.f32 v26, v29;
	v26 =	vsub.f32 v31, v9;
	v29 =	vld [tilespmem:s31+$0x0]  }
0xcf: {  	v27 =	vmul.f32 v27, v27;
	v31 =	vmul.f32 v33, v33;
	v30 =	vsub.f32 v30, v8;
	v33 =	vld [tilespmem:s0+$0x0]  }
0xd0: {  	v15 =	vmul.f32 v15, v15;
	vm11 =	vgt.f32 v18, v16;
	v17 =	vmin.f32 v24, v17;
	v24 =	vld [tilespmem:s0+$0x10]  }
0xd1: {  	v21 =	vadd.f32 v27, v21;
	v25 =	vsub.f32 v25, v11;
	v26 =	vmul.f32 v26, v26;
	[tilespmem:s7+$0xFFFFFFC0] =	vst v17;
	v27 =	vld [tilespmem:s3+$0x0]  }
0xd2: {  	v22 =	vadd.f32 v22, v31;
	v28 =	vsub.f32 v28, v9;
	v30 =	vmul.f32 v30, v30;
	v31 =	vld [tilespmem:s7+$0xFFFFFFD0]  }
0xd3: {  	v16 =	vsel vm11, v18, v16;
	v18 =	vmul.f32 v25, v25;
	v25 =	vld [tilespmem:s7+$0xFFFFFFE0];
	v29 =	vsub.f32 v29, v11  }
0xd4: {  	s8 =	sadd.s32 $0x1, s14;
	vm12 =	vgt.f32 v19, v16;
	v22 =	vadd.f32 v26, v22;
	v26 =	vmul.f32 v28, v28;
	v28 =	vld [tilespmem:s3+$0x10]  }
0xd5: {  	v20 =	vsel vm11, s8, v20;
	s8 =	sadd.s32 $0x2, s14;
	v16 =	vsel vm12, v19, v16;
	v19 =	vld [tilespmem:s7+$0xFFFFFFF0];
	v24 =	vsub.f32 v24, v8  }
0xd6: {  	v20 =	vsel vm12, s8, v20;
	v18 =	vadd.f32 v18, v30;
	v29 =	vmul.f32 v29, v29;
	v30 =	vld [tilespmem:s31+$0x40]  }
0xd7: {  	v21 =	vmin.f32 v32, v21;
	v22 =	vmin.f32 v31, v22;
	v31 =	vsub.f32 v33, v8;
	v32 =	vld [tilespmem:s0+$0x40]  }
0xd8: {  	s8 =	sadd.s32 $0x3, s14;
	vm11 =	vgt.f32 v21, v16;
	v18 =	vadd.f32 v26, v18;
	v24 =	vmul.f32 v24, v24;
	[tilespmem:s7+$0xFFFFFFB0] =	vst v21;
	v26 =	vld [tilespmem:s31+$0x20]  }
0xd9: {  	v16 =	vsel vm11, v21, v16;
	v20 =	vsel vm11, s8, v20;
	[tilespmem:s7+$0xFFFFFFD0] =	vst v22;
	v21 =	vsub.f32 v28, v9;
	v28 =	vld [tilespmem:s0+$0x20]  }
0xda: {  	vm11 =	vgt.f32 v17, v16;
	v19 =	vmin.f32 v19, v23;
	v23 =	vsub.f32 v27, v9;
	v27 =	vld [tilespmem:s3+$0x20]  }
0xdb: {  	s8 =	sadd.s32 $0x4, s14;
	v17 =	vsel vm11, v17, v16;
	v15 =	vadd.f32 v15, v24;
	[tilespmem:s7+$0xFFFFFFF0] =	vst v19;
	v24 =	vld [tilespmem:s7+$0x10];
	v16 =	vsub.f32 v30, v11  }
0xdc: {  	v20 =	vsel vm11, s8, v20;
	vm13 =	vgt.f32 v22, v17;
	v21 =	vmul.f32 v21, v21;
	v30 =	vld [tilespmem:s31+$0x30]  }
0xdd: {  	v18 =	vmin.f32 v25, v18;
	v17 =	vsel vm13, v22, v17;
	v22 =	vsub.f32 v26, v11;
	v25 =	vld [tilespmem:s0+$0x30]  }
0xde: {  	vm11 =	vgt.f32 v18, v17;
	v26 =	vmul.f32 v23, v23;
	v15 =	vadd.f32 v21, v15;
	[tilespmem:s7+$0xFFFFFFE0] =	vst v18;
	v21 =	vld [tilespmem:s3+$0x30]  }
0xdf: {  	v23 =	vmul.f32 v31, v31;
	v31 =	vld [tilespmem:s7+$0x0];
	v27 =	vsub.f32 v27, v9;
	v33 =	vmul.f32 v22, v22  }
0xe0: {  	v18 =	vsel vm11, v18, v17;
	v22 =	vsub.f32 v32, v8;
	v15 =	vmin.f32 v24, v15;
	v32 =	vld [tilespmem:s0+$0x50]  }
0xe1: {  	vm12 =	vgt.f32 v19, v18;
	v29 =	vadd.f32 v29, v23;
	[tilespmem:s7+$0x10] =	vst v15;
	v17 =	vld [tilespmem:s7+$0x20];
	v30 =	vsub.f32 v30, v11  }
0xe2: {  	s8 =	sadd.s32 $0x5, s14;
	v34 =	vsel vm12, v19, v18;
	v18 =	vsub.f32 v28, v8;
	v24 =	vmul.f32 v27, v27;
	v23 =	vld [tilespmem:s3+$0x40]  }
.Ltmp5:
0xe3: {  	v20 =	vsel vm13, s8, v20;
	v26 =	vadd.f32 v26, v29;
	v27 =	vmul.f32 v30, v30;
	v28 =	vld [tilespmem:s3+$0x70];
	(pc) =	sbr.rel @p1 .LBB2_5-.Ltmp5, $4  }
0xe4: {  	v19 =	vmul.f32 v22, v22;
	v29 =	vsub.f32 v25, v8;
	v21 =	vsub.f32 v21, v9;
	v25 =	vld [tilespmem:s31+$0x60]  }
0xe5: {  	v35 =	vmul.f32 v18, v18;
	v31 =	vmin.f32 v31, v26;
	v18 =	vld [tilespmem:s7+$0x30];
	v32 =	vsub.f32 v32, v8  }
0xe6: {  	v30 =	vmul.f32 v29, v29;
	vm13 =	vgt.f32 v31, v34;
	v22 =	vmul.f32 v21, v21;
	[tilespmem:s7+$0x0] =	vst v31;
	v26 =	vld [tilespmem:s0+$0x60]  }
0xe7: {  	s8 =	sadd.s32 $0x6, s14;
	v21 =	vsel vm13, v31, v34;
	v31 =	vadd.f32 v33, v35;
	s7 =	sadd.s32 $0x100, s7;
	v32 =	vmul.f32 v32, v32;
	v29 =	vld [tilespmem:s0+$0x70]  }
0xe8: {  	v27 =	vadd.f32 v27, v30  }
0xe9: {  	v13 =	vmul.f32 v13, v13;
	v12 =	vmul.f32 v12, v12;
	v28 =	vsub.f32 v28, v9  }
0xea: {  	v16 =	vmul.f32 v16, v16;
	v24 =	vadd.f32 v24, v31;
	v14 =	vadd.f32 v14, v32  }
0xeb: {  	v54 =	vld [tilespmem:s23+$0x60];
	vm14 =	vgt.f32 v15, v21;
	v23 =	vsub.f32 v23, v9;
	v11 =	vsub.f32 v25, v11  }
0xec: {  	v15 =	vsel vm14, v15, v21;
	v22 =	vadd.f32 v22, v27;
	v16 =	vadd.f32 v16, v19  }
0xed: {  	v56 =	vld [tilespmem:s30+$0x40];
	v13 =	vadd.f32 v13, v14;
	v55 =	vsub.f32 v26, v8;
	v17 =	vmin.f32 v17, v24  }
0xee: {  	v23 =	vmul.f32 v23, v23;
	v11 =	vmul.f32 v11, v11;
	v8 =	vsub.f32 v29, v8  }
0xef: {  	vm15 =	vgt.f32 v17, v15;
	v18 =	vmin.f32 v18, v22;
	v14 =	vmul.f32 v55, v55  }
0xf0: {  	v9 =	vsub.f32 v54, v9;
	v16 =	vadd.f32 v23, v16;
	v15 =	vsel vm15, v17, v15  }
0xf1: {  	v57 =	vld [tilespmem:s30+$0x60];
	v8 =	vmul.f32 v8, v8;
	vm1 =	vgt.f32 v18, v15;
	v11 =	vadd.f32 v11, v14  }
0xf2: {  	v9 =	vmul.f32 v9, v9;
	v58 =	vmin.f32 v56, v16;
	v15 =	vsel vm1, v18, v15  }
0xf3: {  	v59 =	vld [tilespmem:s30+$0x70];
	v60 =	vmul.f32 v28, v28;
	v10 =	vmin.f32 v10, v13;
	vm2 =	vgt.f32 v58, v15  }
0xf4: {  	v8 =	vadd.f32 v12, v8;
	v9 =	vadd.f32 v9, v11;
	v11 =	vsel vm2, v58, v15  }
0xf5: {  	vm3 =	vgt.f32 v10, v11  }
0xf6: {  	v8 =	vadd.f32 v60, v8;
	v9 =	vmin.f32 v57, v9;
	v11 =	vsel vm3, v10, v11  }
0xf7: {  	vm5 =	vgt.f32 v9, v11  }
0xf8: {  	v61 =	vsel vm11, s8, v20;
	s0 =	sadd.s32 $0x7, s14;
	v8 =	vmin.f32 v59, v8;
	v11 =	vsel vm5, v9, v11  }
0xf9: {  	s9 =	sadd.s32 $0x8, s14;
	v12 =	vsel vm12, s0, v61;
	vm11 =	vgt.f32 v8, v11  }
0xfa: {  	s23 =	sadd.s32 $0x9, s14;
	v12 =	vsel vm13, s9, v12;
	v11 =	vsel vm11, v8, v11  }
0xfb: {  	s31 =	sadd.s32 $0xA, s14;
	v12 =	vsel vm14, s23, v12;
	(xrf0) =	vmax.scan.msk.f32 $0xffff, v11  }
0xfc: {  	s3 =	sadd.s32 $0xB, s14;
	v12 =	vsel vm15, s31, v12  }
0xfd: {  	s4 =	sadd.s32 $0xC, s14;
	v12 =	vsel vm1, s3, v12  }
0xfe: {  	s7 =	sadd.s32 $0xD, s14;
	v12 =	vsel vm2, s4, v12  }
0xff: {  	s8 =	sadd.s32 $0xE, s14;
	v12 =	vsel vm3, s7, v12  }
0x100: {  	s9 =	sadd.s32 $0xF, s14;
	v12 =	vsel vm5, s8, v12  }
0x101: {  	v12 =	vsel vm11, s9, v12;
	v62, _, _ =	vpop (xrf0)  }
0x102: {  	v12 =	vshll.u32 v12, $0x4;
	v13 =	vbroadcast v62, $0xF  }
0x103: {  	v12 =	vadd.s32 v12, v0  }
0x104: {  	vm1 =	veq.f32 v11, v13;
	v11 =	vxor.u32 $0x80000000, v12  }
0x105: {  	v11 =	vnsel vm1, $0xFFFFFFFF, v11  }
0x106: {  	(xrf0) =	vmin.scan.msk.u32 $0xffff, v11;
	_ =	sdelay $0x5  }
0x107: {  	v11, _, _ =	vpop (xrf0)  }
0x108: {  	(v2sf) =	vpush v11, $0xF;
	_ =	sdelay $0xe  }
0x109: {  	s14 =	spop (v2sf)  }
0x10a: {  	s0 =	sxor.u32 $0x80000000, s14  }
0x10b: {  	[tilespmem:s30+$0x20] =	vst v17;
	s3 =	ssub.s32 s0, s1  }
0x10c: {  	[tilespmem:s30+$0x50] =	vst v10;
	v10 =	vmov s3  }
0x10d: {  	[tilespmem:s30+$0x30] =	vst v18  }
0x10e: {  	[tilespmem:s30+$0x40] =	vst v58  }
0x10f: {  	[tilespmem:s30+$0x60] =	vst v9  }
0x110: {  	[tilespmem:s30+$0x70] =	vst v8  }
0x111: {  	v8 =	vld.idx.msk [tilespmem:v10+s21+$0x0], $0xffff  }
0x112: {  	v9 =	vld.idx.msk [tilespmem:v10+s20+$0x0], $0xffff  }
0x113: {  	v10 =	vld.idx.msk [tilespmem:v10+s5+$0x0], $0xffff  }
0x114: {  	s0 =	scvt.s32.f32 s0  }
0x115: {  	s23 =	sshll.u32 s29, $0xA  }
0x116: {  	s30 =	sand.u32 $0x400, s23;
	v8 =	vsel vm7, s0, v8  }
0x117: {  	s0 =	sor.u32 s13, s30;
	v8 =	vsel vm8, v8, v9  }
0x118: {  	s31 =	sor.u32 s6, s0;
	v8 =	vsel vm9, v8, v10  }
0x119: {  	s3 =	sshrl.u32 s31, $0x3;
	v8 =	vsel vm10, v8, v13  }
0x11a: {  	s3 =	sadd.s32 s3, s2;
	[tilespmem:$0x11400] =	vst v8  }
0x11b: {  	[hbm4b:s3+s5] =	stream.linear.scatter [tilespmem:s24], [sflag:$0x1], $0x80, $0x38;
	[tilespmem:$0x11900] =	vst v63  }
0x11c: {  	_ =	swait.ge [sflag:s17], $0x80  }
0x11d: {  	[sflag:s17] =	ssyncset.done $0x0  }
0x11e: {  	s0 =	sshrl.u32 s0, $0x3;
	[sflag:s17] =	ssyncadd.s32 $0xFFFFFF80  }
0x11f: {  	s0 =	sadd.s32 s0, s2;
	[bflag:$0x0] =	sbarrier.arrive $0xFFFF  }
0x120: {  	[tilespmem:s25], [sflag:$0x1] =	stream.linear.gather [hbm4b:s0+s5], $0x400, $0x38;
	[tilespmem:$0x11900] =	vst v63  }
0x121: {  	_ =	swait.ge [sflag:s17], $0x400  }
0x122: {  	[sflag:s17] =	ssyncset.done $0x0  }
0x123: {  	[sflag:s17] =	ssyncadd.s32 $0xFFFFFC00  }
0x124: {  	v8 =	vld.idx.msk [tilespmem:v3+s25+$0x0], $0xffff;
	_ =	sdelay $0x3  }
0x125: {  	vm1 =	vmmov $0xff  }
0x126: {  	v8 =	vnsel vm1, $0xFF800000, v8  }
0x127: {  	(xrf0) =	vmax.scan.msk.f32 $0xffff, v8;
	_ =	sdelay $0x4  }
0x128: {  	v9 =	vld.idx.msk [tilespmem:v7+s25+$0x0], $0xffff  }
0x129: {  	v10, _, _ =	vpop (xrf0)  }
0x12a: {  	v10 =	vbroadcast v10, $0xF;
	_ =	sdelay $0x1  }
0x12b: {  	vm2 =	veq.f32 v8, v10  }
0x12c: {  	v8 =	vnsel vm1, $0x4F32D05E, v9;
	vm1 =	vmand vm2, vm1  }
0x12d: {  	v9 =	vnsel vm1, $0x4F32D05E, v8  }
0x12e: {  	(xrf0) =	vmin.scan.msk.f32 $0xffff, v9;
	_ =	sdelay $0x5  }
0x12f: {  	v9 =	vld.idx.msk [tilespmem:v4+s25+$0x0], $0xffff;
	v10, _, _ =	vpop (xrf0)  }
0x130: {  	v11 =	vld.idx.msk [tilespmem:v5+s25+$0x0], $0xffff;
	v10 =	vbroadcast v10, $0xF  }
0x131: {  	v63 =	vld.idx.msk [tilespmem:v6+s25+$0x0], $0xffff  }
0x132: {  	vm2 =	veq.f32 v8, v10  }
0x133: {  	vm1 =	vmand vm1, vm2  }
0x134: {  	v8 =	vnsel vm1, $0xFF800000, v9  }
0x135: {  	(xrf0) =	vmax.scan.msk.f32 $0xffff, v8;
	v8 =	vnsel vm1, $0xFF800000, v11  }
0x136: {  	(xrf0) =	vmax.scan.msk.f32 $0xffff, v8;
	v8 =	vnsel vm1, $0xFF800000, v63  }
0x137: {  	(xrf0) =	vmax.scan.msk.f32 $0xffff, v8;
	_ =	sdelay $0x2  }
.Ltmp6:
0x138: {  	_ = 	snop;
	(pc) =	sbr.rel @!p0 .LBB2_7-.Ltmp6, $4  }
0x139: {  	v8, _, _ =	vpop (xrf0)  }
0x13a: {  	v9, _, _ =	vpop (xrf0)  }
0x13b: {  	v8 =	vbroadcast v8, $0xF;
	v10, _, _ =	vpop (xrf0)  }
0x13c: {  	v11 =	vbroadcast v9, $0xF;
	v9 =	vbroadcast v10, $0xF  }
0x13d: {  	s29 =	sadd.s32 $0x1, s29  }
0x13e: {  	p1 =	seq.s32 s29, $0x80  }
.Ltmp7:
0x13f: {  	_ = 	snop;
	(pc) =	sbr.rel @!p1 .LBB2_4-.Ltmp7, $4  }
.Ltmp8:
0x140: {  	_ = 	snop;
	(pc) =	sbr.rel @p1 .LBB2_9-.Ltmp8, $4  }
0x141: {  	_ = 	snop  }
0x142: {  	_ = 	snop  }
0x143: {  	_ = 	snop  }
0x144: {  	_ = 	snop  }
.LBB2_10:
0x145: {  	_ =	sfence.sel $0x180000  }
0x146: {  	[bflag:$0x0] =	sbarrier.arrive $0xFFFF  }
0x147: {  	_ =	strace $0x90000047  }
0x148: {  	s0 =	stileid.u32;
	[bflag:$0x2] =	sbarrier.arrive $0xFFFF  }
0x149: {  	p0 =	sne.s32 s0, $0x0;
	s0 =	rddreg [dreg:$0x5]  }
0x14a: {  	s0 =	sadd.s32 @!p0 $0x100000, s0  }
0x14b: {  	[sflag:s0] =	ssyncadd.tile.s32 @!p0 $0x1;
	_ =	shalt  }
.Lfunc_end2:
_tile_overlayer_lowered:
.L_overlay_start_2:
0x14c: {  	(tag) =	ssettag $0x2  }
0x14d: {  	s0 =	rddreg [dreg:$0x0];
	s2 =	stileid.u32  }
0x14e: {  	s1 =	rddreg [dreg:$0x1];
	p0 =	sne.s32 s2, $0x0  }
0x14f: {  	s3 =	rddreg [dreg:$0x2];
	[bflag:$0x3] =	sbarrier.arrive $0xFFFF;
	s2 =	simm.s32 @!p0 $0x1C01  }
0x150: {  	[timem:s3], [sflag:s2] =	dma.local @!p0 [hbm:s0], s1  }
0x151: {  	s0 =	simm.s32 @!p0 $0x1  }
0x152: {  	_ =	swait.ge @!p0 [sflag:s0], s1  }
0x153: {  	s1 =	ssub.s32 @!p0 $0x0, s1;
	[sflag:s0] =	ssyncset.done @!p0 $0x0  }
0x154: {  	[sflag:s0] =	ssyncadd.s32 @!p0 s1  }
0x155: {  	[bflag:$0x3] =	sbarrier.arrive $0xFFFF  }
0x156: {  	_ =	shalt  }

</sc_bundles>
